<compile_context>
chip_gen: v7x
topology: tpu7x:2x2x1
jax: 0.10.2.dev20260603
libtpu: 0.0.44.dev20260713+nightly
codegen_flags: <defaults>
</compile_context>

<pallas_src>
import jax
import jax.numpy as jnp
import numpy as np
from jax import lax
from jax.experimental import pallas as pl
from jax.experimental.pallas import tpu as pltpu
from jax.experimental.pallas import tpu_sc as plsc

N = 10000
E = 320000
C = 4
D = 3
F = 128
ED = 16
EIN = 2 * F + C * C + ED
EH = 2 * EIN
HID = 128
NH = 2 * (HID + F)
CD16 = 16

NC = 2
NS = 16
NW = NC * NS
EPW = E // NW
KG = 80
NCH = EPW // KG

BE = 1280
BN = 1000
NP = 10240
NP8 = NP // 8
TW = 256
XK = 2 * F + 128 + ED


def _silu(x):
    return x * jax.nn.sigmoid(x)


def _dot(a, b):
    return jnp.dot(a, b, preferred_element_type=jnp.float32)


def _dotb(a, b):
    return jnp.dot(a.astype(jnp.bfloat16), b.astype(jnp.bfloat16),
                   preferred_element_type=jnp.float32)



def _gather_body(tab_hbm, row_hbm, col_hbm,
                 rd_out, cd_out,
                 ridx, cidx, dbr, dbc, sem):
    cid = lax.axis_index("c")
    sid = lax.axis_index("s")
    wid = sid * NC + cid
    base0 = wid * EPW

    def body(t, carry):
        base = pl.multiple_of(base0 + t * KG, 8)
        pltpu.sync_copy(row_hbm.at[pl.ds(base, KG)], ridx)
        pltpu.sync_copy(col_hbm.at[pl.ds(base, KG)], cidx)
        d1 = pltpu.async_copy(tab_hbm.at[ridx], dbr, sem)
        d2 = pltpu.async_copy(tab_hbm.at[cidx], dbc, sem)
        d1.wait()
        d2.wait()
        pltpu.sync_copy(dbr, rd_out.at[pl.ds(base, KG)])
        pltpu.sync_copy(dbc, cd_out.at[pl.ds(base, KG)])
        return carry

    lax.fori_loop(0, NCH, body, 0)



def _scatter_body(ef_hbm, tr_hbm, row_hbm, row8_hbm, zh_hbm, zt_hbm,
                  aggh_out, aggc_out,
                  sh_h, sh_t, efb, trb, idxb, i8b, sem):
    cid = lax.axis_index("c")
    sid = lax.axis_index("s")
    wid = sid * NC + cid
    base0 = wid * EPW
    ipt = NP // (NS * KG)

    def ibody(t, carry):
        off = pl.multiple_of((sid * ipt + t) * KG, 8)
        pltpu.sync_copy(zh_hbm.at[pl.ds(off, KG)], efb)
        pltpu.sync_copy(efb, sh_h.at[pl.ds(off, KG)])
        return carry

    lax.fori_loop(0, ipt, ibody, 0)
    off8 = pl.multiple_of(sid * KG, 8)
    pltpu.sync_copy(zt_hbm.at[pl.ds(off8, KG)], trb)
    pltpu.sync_copy(trb, sh_t.at[pl.ds(off8, KG)])
    plsc.subcore_barrier()

    def body(t, carry):
        base = pl.multiple_of(base0 + t * KG, 8)
        pltpu.sync_copy(row_hbm.at[pl.ds(base, KG)], idxb)
        pltpu.sync_copy(row8_hbm.at[pl.ds(base, KG)], i8b)
        d1 = pltpu.async_copy(ef_hbm.at[pl.ds(base, KG)], efb, sem)
        d2 = pltpu.async_copy(tr_hbm.at[pl.ds(base, KG)], trb, sem)
        d1.wait()
        d2.wait()
        pltpu.sync_copy(efb, sh_h.at[idxb], add=True)
        pltpu.sync_copy(trb, sh_t.at[i8b], add=True)
        return carry

    lax.fori_loop(0, NCH, body, 0)
    plsc.subcore_barrier()

    def obody(t, carry):
        off = pl.multiple_of((sid * ipt + t) * KG, 8)
        dst = pl.multiple_of(cid * NP + (sid * ipt + t) * KG, 8)
        pltpu.sync_copy(sh_h.at[pl.ds(off, KG)], efb)
        pltpu.sync_copy(efb, aggh_out.at[pl.ds(dst, KG)])
        return carry

    lax.fori_loop(0, ipt, obody, 0)
    dst8 = pl.multiple_of(cid * NP8 + sid * KG, 8)
    pltpu.sync_copy(sh_t.at[pl.ds(off8, KG)], trb)
    pltpu.sync_copy(trb, aggc_out.at[pl.ds(dst8, KG)])



def _blo(x):
    return lax.bitcast_convert_type(x << 16, jnp.float32)


def _bhi(x):
    return lax.bitcast_convert_type(x & jnp.uint32(0xFFFF0000), jnp.float32)


def _edge_body(rd, cdat, ea, Wfull, be1, We2, be2,
               S1, S2, Wc1, Wc2e, cnt_row, Rrep, ef_out, tr_out):
    rp = rd[...]
    cp = cdat[...]
    cdl = _blo(rp[:, 64:72]) - _blo(cp[:, 64:72])
    cdh = _bhi(rp[:, 64:72]) - _bhi(cp[:, 64:72])
    cd = jnp.concatenate([cdl, cdh], axis=1)
    oh = jnp.concatenate(
        [_blo(rp[:, 72:76]), _bhi(rp[:, 72:76])], axis=1)
    p = _dotb(cd, S1[...]) * _dotb(cd, S2[...])
    x = jnp.concatenate(
        [_blo(rp[:, :64]), _bhi(rp[:, :64]),
         _blo(cp[:, :64]), _bhi(cp[:, :64]),
         p, ea[...]], axis=1).astype(jnp.bfloat16)
    t = _silu(_dot(x, Wfull[...]) + be1[...])
    ef = _silu(_dotb(t, We2[...]) + be2[...])
    cw = _silu(_dotb(ef, Wc1[...]))
    cwe = _dotb(cw, Wc2e[...])
    ef_out[...] = ef
    tr16 = cd * cwe + cnt_row[...]
    tr_out[...] = _dotb(oh, Rrep[...]) * jnp.concatenate([tr16] * 8, 1)



def _node_body(h, a0, a1, c0, c1, co16, Wnh, Wna, bn1, Wn2, bn2, E15,
               ho_out, co_out):
    ah = a0[...] + a1[...]
    t = _silu(_dotb(h[...], Wnh[...]) + _dotb(ah, Wna[...]) + bn1[...])
    ho_out[...] = h[...] + _silu(_dotb(t, Wn2[...]) + bn2[...])
    ac = c0[...] + c1[...]
    deg = _dot(ac, E15[...])
    agg = ac / jnp.maximum(deg, 1.0)
    co_out[...] = co16[...] + jnp.clip(agg, -10.0, 10.0)


def _full(shape):
    nd = len(shape)
    return pl.BlockSpec(shape, lambda i, _nd=nd: (0,) * _nd)


def _rows(block, width):
    return pl.BlockSpec((block, width), lambda i: (i, 0))


def kernel(h, edge_index, coord, edge_attr, We1, be1, We2, be2,
           Wn1, bn1, Wn2, bn2, Wc1, Wc2):
    row = edge_index[0]
    col = edge_index[1]
    coord16 = jnp.pad(coord.reshape(N, C * D), ((0, 0), (0, CD16 - C * D)))

    s1 = np.zeros((CD16, 128), np.float32)
    s2 = np.zeros((CD16, 128), np.float32)
    perm = np.zeros(C * C * D, np.int64)
    for i in range(C):
        for j in range(C):
            for d in range(D):
                k = 12 * i + 3 * j + d
                s1[3 * i + d, k] = 1.0
                s2[3 * j + d, k] = 1.0
                perm[k] = 2 * F + C * i + j
    S1 = jnp.asarray(s1)
    S2 = jnp.asarray(s2)
    Wr = jnp.zeros((128, EH), jnp.float32).at[:C * C * D].set(We1[perm])
    Wa = We1[:F]
    Wb = We1[F:2 * F]
    We = We1[2 * F + C * C:]
    cmap = np.repeat(np.arange(C), D)
    Wc2e = jnp.concatenate(
        [Wc2[:, cmap], jnp.zeros((2 * HID, CD16 - C * D), jnp.float32)], axis=1)
    cnt_row = jnp.zeros((1, CD16), jnp.float32).at[0, CD16 - 1].set(1.0)
    rrep = np.zeros((8, 128), np.float32)
    for k in range(8):
        rrep[k, 16 * k:16 * (k + 1)] = 1.0
    Rrep = jnp.asarray(rrep)
    e15 = np.zeros((CD16, CD16), np.float32)
    e15[CD16 - 1, :] = 1.0
    E15 = jnp.asarray(e15)
    Wnh = Wn1[:F]
    Wna = Wn1[F:]
    be1_2 = be1.reshape(1, EH)
    be2_2 = be2.reshape(1, HID)
    bn1_2 = bn1.reshape(1, NH)
    bn2_2 = bn2.reshape(1, F)
    zh = jnp.zeros((NP, HID), jnp.float32)
    zt = jnp.zeros((NP8, 128), jnp.float32)
    row8 = row // 8

    mesh = plsc.VectorSubcoreMesh(core_axis_name="c", subcore_axis_name="s")

    hu = lax.bitcast_convert_type(
        h.astype(jnp.bfloat16), jnp.uint16).astype(jnp.uint32)
    cu = lax.bitcast_convert_type(
        coord16.astype(jnp.bfloat16), jnp.uint16).astype(jnp.uint32)
    ou = lax.bitcast_convert_type(
        jax.nn.one_hot(jnp.arange(N) % 8, 8, dtype=jnp.bfloat16),
        jnp.uint16).astype(jnp.uint32)
    table = jnp.concatenate(
        [hu[:, :64] | (hu[:, 64:] << 16),
         cu[:, :8] | (cu[:, 8:] << 16),
         ou[:, :4] | (ou[:, 4:] << 16),
         jnp.zeros((N, TW // 2 - 76), jnp.uint32)], axis=1)
    Wfull = jnp.concatenate([Wa, Wb, Wr, We], axis=0).astype(jnp.bfloat16)

    gather = pl.kernel(
        _gather_body,
        out_type=[jax.ShapeDtypeStruct((E, TW // 2), jnp.uint32),
                  jax.ShapeDtypeStruct((E, TW // 2), jnp.uint32)],
        mesh=mesh,
        scratch_types=[pltpu.VMEM((KG,), jnp.int32),
                       pltpu.VMEM((KG,), jnp.int32),
                       pltpu.VMEM((KG, TW // 2), jnp.uint32),
                       pltpu.VMEM((KG, TW // 2), jnp.uint32),
                       pltpu.SemaphoreType.DMA],
    )
    rdat, cdat = gather(table, row, col)

    ef, tr128 = pl.pallas_call(
        _edge_body,
        grid=(E // BE,),
        in_specs=[_rows(BE, TW // 2), _rows(BE, TW // 2), _rows(BE, ED),
                  _full((XK, EH)), _full((1, EH)), _full((EH, HID)),
                  _full((1, HID)), _full((CD16, 128)), _full((CD16, 128)),
                  _full((HID, 2 * HID)), _full((2 * HID, CD16)),
                  _full((1, CD16)), _full((8, 128))],
        out_specs=[_rows(BE, HID), _rows(BE, 128)],
        out_shape=[jax.ShapeDtypeStruct((E, HID), jnp.float32),
                   jax.ShapeDtypeStruct((E, 128), jnp.float32)],
    )(rdat, cdat, edge_attr, Wfull, be1_2, We2, be2_2,
      S1, S2, Wc1, Wc2e, cnt_row, Rrep)

    scatter = pl.kernel(
        _scatter_body,
        out_type=[jax.ShapeDtypeStruct((NC * NP, HID), jnp.float32),
                  jax.ShapeDtypeStruct((NC * NP8, 128), jnp.float32)],
        mesh=mesh,
        scratch_types=[pltpu.VMEM_SHARED((NP, HID), jnp.float32),
                       pltpu.VMEM_SHARED((NP8, 128), jnp.float32),
                       pltpu.VMEM((KG, HID), jnp.float32),
                       pltpu.VMEM((KG, 128), jnp.float32),
                       pltpu.VMEM((KG,), jnp.int32),
                       pltpu.VMEM((KG,), jnp.int32),
                       pltpu.SemaphoreType.DMA],
    )
    aggh_p, aggc_p = scatter(ef, tr128, row, row8, zh, zt)
    aggc16 = aggc_p.reshape(NC * NP, CD16)

    h_out, co16 = pl.pallas_call(
        _node_body,
        grid=(N // BN,),
        in_specs=[_rows(BN, F), _rows(BN, HID), _rows(BN, HID),
                  _rows(BN, CD16), _rows(BN, CD16), _rows(BN, CD16),
                  _full((F, NH)), _full((HID, NH)), _full((1, NH)),
                  _full((NH, F)), _full((1, F)), _full((CD16, CD16))],
        out_specs=[_rows(BN, F), _rows(BN, CD16)],
        out_shape=[jax.ShapeDtypeStruct((N, F), jnp.float32),
                   jax.ShapeDtypeStruct((N, CD16), jnp.float32)],
    )(h, aggh_p[:N], aggh_p[NP:NP + N], aggc16[:N], aggc16[NP:NP + N],
      coord16, Wnh, Wna, bn1_2, Wn2, bn2_2, E15)

    coord_out = co16[:, :C * D].reshape(N, C, D)
    return (h_out, coord_out)

# --- scband reference (transcript-rebuilt; emitter-appended) ---
"""Pipeline reference for scband-mc-e-gcl-69088843923953 (READ-ONLY COPY).

The authoritative reference and input builder live on the scoring server;
editing this copy changes nothing except your own understanding.
"""

import jax, jax.numpy as jnp
import numpy as np

N = 10000
E = 320000
C = 4
D = 3
F = 128
ED = 16
HID = 128
SCALE = 2

def silu(x):
    return x * jax.nn.sigmoid(x)

def setup_inputs(seed: int = 0):
    key = jax.random.key(seed)
    ks = jax.random.split(key, 10)
    h = jax.random.normal(ks[0], (N, F), dtype=jnp.float32)
    edge_index = jax.random.randint(ks[1], (2, E), 0, N, dtype=jnp.int32)
    coord = jax.random.normal(ks[2], (N, C, D), dtype=jnp.float32)
    edge_attr = jax.random.normal(ks[3], (E, ED), dtype=jnp.float32)
    e_in = 2 * F + C * C + ED
    We1 = jax.random.normal(ks[4], (e_in, SCALE * e_in), dtype=jnp.float32) * 0.02
    be1 = jnp.zeros((SCALE * e_in,), dtype=jnp.float32)
    We2 = jax.random.normal(ks[5], (SCALE * e_in, HID), dtype=jnp.float32) * 0.02
    be2 = jnp.zeros((HID,), dtype=jnp.float32)
    n_in = HID + F
    Wn1 = jax.random.normal(ks[6], (n_in, SCALE * n_in), dtype=jnp.float32) * 0.02
    bn1 = jnp.zeros((SCALE * n_in,), dtype=jnp.float32)
    Wn2 = jax.random.normal(ks[7], (SCALE * n_in, F), dtype=jnp.float32) * 0.02
    bn2 = jnp.zeros((F,), dtype=jnp.float32)
    Wc1 = jax.random.normal(ks[8], (HID, SCALE * HID), dtype=jnp.float32) * 0.02
    Wc2 = jax.random.normal(ks[9], (SCALE * HID, C), dtype=jnp.float32) * 0.001
    return {"h": h, "edge_index": edge_index, "coord": coord, "edge_attr": edge_attr,
            "We1": We1, "be1": be1, "We2": We2, "be2": be2,
            "Wn1": Wn1, "bn1": bn1, "Wn2": Wn2, "bn2": bn2,
            "Wc1": Wc1, "Wc2": Wc2}

def reference(h, edge_index, coord, edge_attr, We1, be1, We2, be2, Wn1, bn1, Wn2, bn2, Wc1, Wc2):
    row = edge_index[0]
    col = edge_index[1]
    # coord2radial (norm_type=None)
    coord_diff = coord[row] - coord[col]  # [E, C, D]
    radial = jnp.einsum('ecd,efd->ecf', coord_diff, coord_diff)  # bmm(cd, cd^T) [E, C, C]
    radial_flat = radial.reshape(radial.shape[0], -1)
    # edge_model: MLPwithLastAct(2F + C^2 + ED -> hidden_nf)
    edge_in = jnp.concatenate([h[row], h[col], radial_flat, edge_attr], axis=1)
    edge_feat = silu(silu(edge_in @ We1 + be1) @ We2 + be2)
    # coord_model: MLPwoBias(hidden_nf -> n_channel), mean aggregation
    coord_w = silu(edge_feat @ Wc1) @ Wc2  # [E, C]
    trans = coord_diff * coord_w[..., None]  # [E, C, D]
    sum_t = jax.ops.segment_sum(trans, row, num_segments=N)
    cnt = jax.ops.segment_sum(jnp.ones_like(trans), row, num_segments=N)
    agg_c = sum_t / jnp.clip(cnt, 1.0, None)
    coord_out = coord + jnp.clip(agg_c, -10.0, 10.0)
    # node_model: sum aggregation + MLPwithLastAct(hidden_nf + input_nf -> output_nf), residual
    agg_h = jax.ops.segment_sum(edge_feat, row, num_segments=N)
    node_in = jnp.concatenate([h, agg_h], axis=1)
    h_out = h + silu(silu(node_in @ Wn1 + bn1) @ Wn2 + bn2)
    return (h_out, coord_out)

if __name__ == "__main__":
    import jax
    _d = setup_inputs()
    print(jax.jit(kernel)(*tuple(_d.values())))

</pallas_src>

<mosaic_0001>
#map = affine_map<(d0, d1) -> (0, 0)>
#map1 = affine_map<(d0, d1) -> (0)>
module attributes {stable_mosaic.version = 14 : i64} {
  func.func @_gather_body(%arg0: i32, %arg1: i32, %arg2: memref<10000x128xi32, #tpu.memory_space<hbm>>, %arg3: memref<320000xi32, #tpu.memory_space<hbm>>, %arg4: memref<320000xi32, #tpu.memory_space<hbm>>, %arg5: memref<320000x128xi32, #tpu.memory_space<hbm>>, %arg6: memref<320000x128xi32, #tpu.memory_space<hbm>>, %arg7: memref<80xi32, #tpu.memory_space<vmem>>, %arg8: memref<80xi32, #tpu.memory_space<vmem>>, %arg9: memref<80x128xi32, #tpu.memory_space<vmem>>, %arg10: memref<80x128xi32, #tpu.memory_space<vmem>>, %arg11: memref<!tpu.dma_semaphore, #tpu.memory_space<semaphore_mem>>) attributes {dimension_semantics = [#tpu.dimension_semantics<core_parallel>, #tpu.dimension_semantics<subcore_parallel>], iteration_bounds = array<i64: 2, 16>, scalar_prefetch = 0 : i64, scratch_operands = 5 : i64, tpu.core_type = #tpu.core_type<sc_vector_subcore>, window_params = [{transform_indices = #map}, {transform_indices = #map1}, {transform_indices = #map1}, {transform_indices = #map}, {transform_indices = #map}]} {
    %mul3A = arith.constant 2 : i32
    %mul3A_0 = arith.muli %arg1, %mul3A : i32
    %add3A = arith.addi %mul3A_0, %arg0 : i32
    %mul3A_1 = arith.constant 10000 : i32
    %mul3A_2 = arith.muli %add3A, %mul3A_1 : i32
    %scan3A = arith.constant 0 : i32
    %scan3A_3 = arith.constant 0 : i32
    %scan3A_4 = arith.constant 125 : i32
    %scan3A_5 = arith.addi %scan3A_3, %scan3A_4 : i32
    %scan3A_6 = arith.constant 1 : i32
    scf.for %scan3A_8 = %scan3A_3 to %scan3A_5 step %scan3A_6  : i32 {
      %mul3A_9 = arith.constant 80 : i32
      %mul3A_10 = arith.muli %scan3A_8, %mul3A_9 : i32
      %add3A_11 = arith.addi %mul3A_2, %mul3A_10 : i32
      %multiple_of3A = tpu.assume_multiple %add3A_11, 8 : i32
      "tpu.region"() ({
        %run_scoped3A = tpu.sem_alloc : memref<!tpu.dma_semaphore, #tpu.memory_space<semaphore_mem>>
        %dma_start3A_22 = tpu.memref_slice %arg3[%multiple_of3A] : memref<320000xi32, #tpu.memory_space<hbm>> -> memref<80xi32, #tpu.memory_space<hbm>>
        %dma_start3A_23 = tpu.memref_slice %arg3[%multiple_of3A] : memref<320000xi32, #tpu.memory_space<hbm>> -> memref<80xi32, #tpu.memory_space<hbm>>
        tpu.enqueue_dma source(%dma_start3A_23 : memref<80xi32, #tpu.memory_space<hbm>>) target(%arg7 : memref<80xi32, #tpu.memory_space<vmem>>) target_semaphore(%run_scoped3A : memref<!tpu.dma_semaphore, #tpu.memory_space<semaphore_mem>>)
        %dma_wait3A_24 = tpu.memref_slice %arg3[%multiple_of3A] : memref<320000xi32, #tpu.memory_space<hbm>> -> memref<80xi32, #tpu.memory_space<hbm>>
        %dma_wait3A_25 = tpu.memref_slice %arg3[%multiple_of3A] : memref<320000xi32, #tpu.memory_space<hbm>> -> memref<80xi32, #tpu.memory_space<hbm>>
        tpu.wait_dma2 semaphore(%run_scoped3A : memref<!tpu.dma_semaphore, #tpu.memory_space<semaphore_mem>>) src(%dma_wait3A_25 : memref<80xi32, #tpu.memory_space<hbm>>) dst(%arg7 : memref<80xi32, #tpu.memory_space<vmem>>)
        tpu.yield
      }) : () -> ()
      "tpu.region"() ({
        %run_scoped3A = tpu.sem_alloc : memref<!tpu.dma_semaphore, #tpu.memory_space<semaphore_mem>>
        %dma_start3A_22 = tpu.memref_slice %arg4[%multiple_of3A] : memref<320000xi32, #tpu.memory_space<hbm>> -> memref<80xi32, #tpu.memory_space<hbm>>
        %dma_start3A_23 = tpu.memref_slice %arg4[%multiple_of3A] : memref<320000xi32, #tpu.memory_space<hbm>> -> memref<80xi32, #tpu.memory_space<hbm>>
        tpu.enqueue_dma source(%dma_start3A_23 : memref<80xi32, #tpu.memory_space<hbm>>) target(%arg8 : memref<80xi32, #tpu.memory_space<vmem>>) target_semaphore(%run_scoped3A : memref<!tpu.dma_semaphore, #tpu.memory_space<semaphore_mem>>)
        %dma_wait3A_24 = tpu.memref_slice %arg4[%multiple_of3A] : memref<320000xi32, #tpu.memory_space<hbm>> -> memref<80xi32, #tpu.memory_space<hbm>>
        %dma_wait3A_25 = tpu.memref_slice %arg4[%multiple_of3A] : memref<320000xi32, #tpu.memory_space<hbm>> -> memref<80xi32, #tpu.memory_space<hbm>>
        tpu.wait_dma2 semaphore(%run_scoped3A : memref<!tpu.dma_semaphore, #tpu.memory_space<semaphore_mem>>) src(%dma_wait3A_25 : memref<80xi32, #tpu.memory_space<hbm>>) dst(%arg8 : memref<80xi32, #tpu.memory_space<vmem>>)
        tpu.yield
      }) : () -> ()
      %dma_start3A = arith.constant 0 : i32
      %dma_start3A_12 = arith.constant 0 : i32
      %dma_start3A_13 = tpu.memref_slice %arg2[%dma_start3A, %dma_start3A_12] : memref<10000x128xi32, #tpu.memory_space<hbm>> -> memref<10000x128xi32, #tpu.memory_space<hbm>>
      tpu.enqueue_indirect_dma source(%dma_start3A_13 : memref<10000x128xi32, #tpu.memory_space<hbm>>) target(%arg9 : memref<80x128xi32, #tpu.memory_space<vmem>>) offsets(%arg7 : memref<80xi32, #tpu.memory_space<vmem>>) semaphore(%arg11 : memref<!tpu.dma_semaphore, #tpu.memory_space<semaphore_mem>>)
      %dma_start3A_14 = arith.constant 0 : i32
      %dma_start3A_15 = arith.constant 0 : i32
      %dma_start3A_16 = tpu.memref_slice %arg2[%dma_start3A_14, %dma_start3A_15] : memref<10000x128xi32, #tpu.memory_space<hbm>> -> memref<10000x128xi32, #tpu.memory_space<hbm>>
      tpu.enqueue_indirect_dma source(%dma_start3A_16 : memref<10000x128xi32, #tpu.memory_space<hbm>>) target(%arg10 : memref<80x128xi32, #tpu.memory_space<vmem>>) offsets(%arg8 : memref<80xi32, #tpu.memory_space<vmem>>) semaphore(%arg11 : memref<!tpu.dma_semaphore, #tpu.memory_space<semaphore_mem>>)
      %dma_wait3A = arith.constant 0 : i32
      %dma_wait3A_17 = arith.constant 0 : i32
      %dma_wait3A_18 = tpu.memref_slice %arg2[%dma_wait3A, %dma_wait3A_17] : memref<10000x128xi32, #tpu.memory_space<hbm>> -> memref<10000x128xi32, #tpu.memory_space<hbm>>
      tpu.wait_indirect_dma semaphore(%arg11 : memref<!tpu.dma_semaphore, #tpu.memory_space<semaphore_mem>>) src(%dma_wait3A_18 : memref<10000x128xi32, #tpu.memory_space<hbm>>) dst(%arg9 : memref<80x128xi32, #tpu.memory_space<vmem>>)
      %dma_wait3A_19 = arith.constant 0 : i32
      %dma_wait3A_20 = arith.constant 0 : i32
      %dma_wait3A_21 = tpu.memref_slice %arg2[%dma_wait3A_19, %dma_wait3A_20] : memref<10000x128xi32, #tpu.memory_space<hbm>> -> memref<10000x128xi32, #tpu.memory_space<hbm>>
      tpu.wait_indirect_dma semaphore(%arg11 : memref<!tpu.dma_semaphore, #tpu.memory_space<semaphore_mem>>) src(%dma_wait3A_21 : memref<10000x128xi32, #tpu.memory_space<hbm>>) dst(%arg10 : memref<80x128xi32, #tpu.memory_space<vmem>>)
      "tpu.region"() ({
        %run_scoped3A = tpu.sem_alloc : memref<!tpu.dma_semaphore, #tpu.memory_space<semaphore_mem>>
        %dma_start3A_22 = arith.constant 0 : i32
        %dma_start3A_23 = tpu.memref_slice %arg5[%multiple_of3A, %dma_start3A_22] : memref<320000x128xi32, #tpu.memory_space<hbm>> -> memref<80x128xi32, #tpu.memory_space<hbm>>
        %dma_start3A_24 = arith.constant 0 : i32
        %dma_start3A_25 = tpu.memref_slice %arg5[%multiple_of3A, %dma_start3A_24] : memref<320000x128xi32, #tpu.memory_space<hbm>> -> memref<80x128xi32, #tpu.memory_space<hbm>>
        tpu.enqueue_dma source(%arg9 : memref<80x128xi32, #tpu.memory_space<vmem>>) target(%dma_start3A_25 : memref<80x128xi32, #tpu.memory_space<hbm>>) target_semaphore(%run_scoped3A : memref<!tpu.dma_semaphore, #tpu.memory_space<semaphore_mem>>)
        %dma_wait3A_26 = arith.constant 0 : i32
        %dma_wait3A_27 = tpu.memref_slice %arg5[%multiple_of3A, %dma_wait3A_26] : memref<320000x128xi32, #tpu.memory_space<hbm>> -> memref<80x128xi32, #tpu.memory_space<hbm>>
        %dma_wait3A_28 = arith.constant 0 : i32
        %dma_wait3A_29 = tpu.memref_slice %arg5[%multiple_of3A, %dma_wait3A_28] : memref<320000x128xi32, #tpu.memory_space<hbm>> -> memref<80x128xi32, #tpu.memory_space<hbm>>
        tpu.wait_dma2 semaphore(%run_scoped3A : memref<!tpu.dma_semaphore, #tpu.memory_space<semaphore_mem>>) src(%arg9 : memref<80x128xi32, #tpu.memory_space<vmem>>) dst(%dma_wait3A_29 : memref<80x128xi32, #tpu.memory_space<hbm>>)
        tpu.yield
      }) : () -> ()
      "tpu.region"() ({
        %run_scoped3A = tpu.sem_alloc : memref<!tpu.dma_semaphore, #tpu.memory_space<semaphore_mem>>
        %dma_start3A_22 = arith.constant 0 : i32
        %dma_start3A_23 = tpu.memref_slice %arg6[%multiple_of3A, %dma_start3A_22] : memref<320000x128xi32, #tpu.memory_space<hbm>> -> memref<80x128xi32, #tpu.memory_space<hbm>>
        %dma_start3A_24 = arith.constant 0 : i32
        %dma_start3A_25 = tpu.memref_slice %arg6[%multiple_of3A, %dma_start3A_24] : memref<320000x128xi32, #tpu.memory_space<hbm>> -> memref<80x128xi32, #tpu.memory_space<hbm>>
        tpu.enqueue_dma source(%arg10 : memref<80x128xi32, #tpu.memory_space<vmem>>) target(%dma_start3A_25 : memref<80x128xi32, #tpu.memory_space<hbm>>) target_semaphore(%run_scoped3A : memref<!tpu.dma_semaphore, #tpu.memory_space<semaphore_mem>>)
        %dma_wait3A_26 = arith.constant 0 : i32
        %dma_wait3A_27 = tpu.memref_slice %arg6[%multiple_of3A, %dma_wait3A_26] : memref<320000x128xi32, #tpu.memory_space<hbm>> -> memref<80x128xi32, #tpu.memory_space<hbm>>
        %dma_wait3A_28 = arith.constant 0 : i32
        %dma_wait3A_29 = tpu.memref_slice %arg6[%multiple_of3A, %dma_wait3A_28] : memref<320000x128xi32, #tpu.memory_space<hbm>> -> memref<80x128xi32, #tpu.memory_space<hbm>>
        tpu.wait_dma2 semaphore(%run_scoped3A : memref<!tpu.dma_semaphore, #tpu.memory_space<semaphore_mem>>) src(%arg10 : memref<80x128xi32, #tpu.memory_space<vmem>>) dst(%dma_wait3A_29 : memref<80x128xi32, #tpu.memory_space<hbm>>)
        tpu.yield
      }) : () -> ()
    }
    %scan3A_7 = arith.constant 125 : i32
    return
  }
}

#map = affine_map<(d0, d1) -> (0, 0)>
#map1 = affine_map<(d0, d1) -> (0)>
module attributes {stable_mosaic.version = 14 : i64} {
  func.func @_scatter_body(%arg0: i32, %arg1: i32, %arg2: memref<320000x128xf32, #tpu.memory_space<hbm>>, %arg3: memref<320000x128xf32, #tpu.memory_space<hbm>>, %arg4: memref<320000xi32, #tpu.memory_space<hbm>>, %arg5: memref<320000xi32, #tpu.memory_space<hbm>>, %arg6: memref<10240x128xf32, #tpu.memory_space<hbm>>, %arg7: memref<1280x128xf32, #tpu.memory_space<hbm>>, %arg8: memref<20480x128xf32, #tpu.memory_space<hbm>>, %arg9: memref<2560x128xf32, #tpu.memory_space<hbm>>, %arg10: memref<10240x128xf32, #tpu.memory_space<vmem_shared>>, %arg11: memref<1280x128xf32, #tpu.memory_space<vmem_shared>>, %arg12: memref<80x128xf32, #tpu.memory_space<vmem>>, %arg13: memref<80x128xf32, #tpu.memory_space<vmem>>, %arg14: memref<80xi32, #tpu.memory_space<vmem>>, %arg15: memref<80xi32, #tpu.memory_space<vmem>>, %arg16: memref<!tpu.dma_semaphore, #tpu.memory_space<semaphore_mem>>) attributes {dimension_semantics = [#tpu.dimension_semantics<core_parallel>, #tpu.dimension_semantics<subcore_parallel>], iteration_bounds = array<i64: 2, 16>, scalar_prefetch = 0 : i64, scratch_operands = 7 : i64, tpu.core_type = #tpu.core_type<sc_vector_subcore>, window_params = [{transform_indices = #map}, {transform_indices = #map}, {transform_indices = #map1}, {transform_indices = #map1}, {transform_indices = #map}, {transform_indices = #map}, {transform_indices = #map}, {transform_indices = #map}]} {
    %mul3A = arith.constant 2 : i32
    %mul3A_0 = arith.muli %arg1, %mul3A : i32
    %add3A = arith.addi %mul3A_0, %arg0 : i32
    %mul3A_1 = arith.constant 10000 : i32
    %mul3A_2 = arith.muli %add3A, %mul3A_1 : i32
    %scan3A = arith.constant 0 : i32
    %scan3A_3 = arith.constant 0 : i32
    %scan3A_4 = arith.constant 8 : i32
    %scan3A_5 = arith.addi %scan3A_3, %scan3A_4 : i32
    %scan3A_6 = arith.constant 1 : i32
    scf.for %scan3A_29 = %scan3A_3 to %scan3A_5 step %scan3A_6  : i32 {
      %mul3A_30 = arith.constant 8 : i32
      %mul3A_31 = arith.muli %arg1, %mul3A_30 : i32
      %add3A_32 = arith.addi %mul3A_31, %scan3A_29 : i32
      %mul3A_33 = arith.constant 80 : i32
      %mul3A_34 = arith.muli %add3A_32, %mul3A_33 : i32
      %multiple_of3A_35 = tpu.assume_multiple %mul3A_34, 8 : i32
      "tpu.region"() ({
        %run_scoped3A = tpu.sem_alloc : memref<!tpu.dma_semaphore, #tpu.memory_space<semaphore_mem>>
        %dma_start3A = arith.constant 0 : i32
        %dma_start3A_36 = tpu.memref_slice %arg6[%multiple_of3A_35, %dma_start3A] : memref<10240x128xf32, #tpu.memory_space<hbm>> -> memref<80x128xf32, #tpu.memory_space<hbm>>
        %dma_start3A_37 = arith.constant 0 : i32
        %dma_start3A_38 = tpu.memref_slice %arg6[%multiple_of3A_35, %dma_start3A_37] : memref<10240x128xf32, #tpu.memory_space<hbm>> -> memref<80x128xf32, #tpu.memory_space<hbm>>
        tpu.enqueue_dma source(%dma_start3A_38 : memref<80x128xf32, #tpu.memory_space<hbm>>) target(%arg12 : memref<80x128xf32, #tpu.memory_space<vmem>>) target_semaphore(%run_scoped3A : memref<!tpu.dma_semaphore, #tpu.memory_space<semaphore_mem>>)
        %dma_wait3A = arith.constant 0 : i32
        %dma_wait3A_39 = tpu.memref_slice %arg6[%multiple_of3A_35, %dma_wait3A] : memref<10240x128xf32, #tpu.memory_space<hbm>> -> memref<80x128xf32, #tpu.memory_space<hbm>>
        %dma_wait3A_40 = arith.constant 0 : i32
        %dma_wait3A_41 = tpu.memref_slice %arg6[%multiple_of3A_35, %dma_wait3A_40] : memref<10240x128xf32, #tpu.memory_space<hbm>> -> memref<80x128xf32, #tpu.memory_space<hbm>>
        tpu.wait_dma2 semaphore(%run_scoped3A : memref<!tpu.dma_semaphore, #tpu.memory_space<semaphore_mem>>) src(%dma_wait3A_41 : memref<80x128xf32, #tpu.memory_space<hbm>>) dst(%arg12 : memref<80x128xf32, #tpu.memory_space<vmem>>)
        tpu.yield
      }) : () -> ()
      "tpu.region"() ({
        %run_scoped3A = tpu.sem_alloc : memref<!tpu.dma_semaphore, #tpu.memory_space<semaphore_mem>>
        %dma_start3A = arith.constant 0 : i32
        %dma_start3A_36 = tpu.memref_slice %arg10[%multiple_of3A_35, %dma_start3A] : memref<10240x128xf32, #tpu.memory_space<vmem_shared>> -> memref<80x128xf32, #tpu.memory_space<vmem_shared>>
        %dma_start3A_37 = arith.constant 0 : i32
        %dma_start3A_38 = tpu.memref_slice %arg10[%multiple_of3A_35, %dma_start3A_37] : memref<10240x128xf32, #tpu.memory_space<vmem_shared>> -> memref<80x128xf32, #tpu.memory_space<vmem_shared>>
        tpu.enqueue_dma source(%arg12 : memref<80x128xf32, #tpu.memory_space<vmem>>) target(%dma_start3A_38 : memref<80x128xf32, #tpu.memory_space<vmem_shared>>) target_semaphore(%run_scoped3A : memref<!tpu.dma_semaphore, #tpu.memory_space<semaphore_mem>>)
        %dma_wait3A = arith.constant 0 : i32
        %dma_wait3A_39 = tpu.memref_slice %arg10[%multiple_of3A_35, %dma_wait3A] : memref<10240x128xf32, #tpu.memory_space<vmem_shared>> -> memref<80x128xf32, #tpu.memory_space<vmem_shared>>
        %dma_wait3A_40 = arith.constant 0 : i32
        %dma_wait3A_41 = tpu.memref_slice %arg10[%multiple_of3A_35, %dma_wait3A_40] : memref<10240x128xf32, #tpu.memory_space<vmem_shared>> -> memref<80x128xf32, #tpu.memory_space<vmem_shared>>
        tpu.wait_dma2 semaphore(%run_scoped3A : memref<!tpu.dma_semaphore, #tpu.memory_space<semaphore_mem>>) src(%arg12 : memref<80x128xf32, #tpu.memory_space<vmem>>) dst(%dma_wait3A_41 : memref<80x128xf32, #tpu.memory_space<vmem_shared>>)
        tpu.yield
      }) : () -> ()
    }
    %scan3A_7 = arith.constant 8 : i32
    %mul3A_8 = arith.constant 80 : i32
    %mul3A_9 = arith.muli %arg1, %mul3A_8 : i32
    %multiple_of3A = tpu.assume_multiple %mul3A_9, 8 : i32
    "tpu.region"() ({
      %run_scoped3A = tpu.sem_alloc : memref<!tpu.dma_semaphore, #tpu.memory_space<semaphore_mem>>
      %dma_start3A = arith.constant 0 : i32
      %dma_start3A_29 = tpu.memref_slice %arg7[%multiple_of3A, %dma_start3A] : memref<1280x128xf32, #tpu.memory_space<hbm>> -> memref<80x128xf32, #tpu.memory_space<hbm>>
      %dma_start3A_30 = arith.constant 0 : i32
      %dma_start3A_31 = tpu.memref_slice %arg7[%multiple_of3A, %dma_start3A_30] : memref<1280x128xf32, #tpu.memory_space<hbm>> -> memref<80x128xf32, #tpu.memory_space<hbm>>
      tpu.enqueue_dma source(%dma_start3A_31 : memref<80x128xf32, #tpu.memory_space<hbm>>) target(%arg13 : memref<80x128xf32, #tpu.memory_space<vmem>>) target_semaphore(%run_scoped3A : memref<!tpu.dma_semaphore, #tpu.memory_space<semaphore_mem>>)
      %dma_wait3A = arith.constant 0 : i32
      %dma_wait3A_32 = tpu.memref_slice %arg7[%multiple_of3A, %dma_wait3A] : memref<1280x128xf32, #tpu.memory_space<hbm>> -> memref<80x128xf32, #tpu.memory_space<hbm>>
      %dma_wait3A_33 = arith.constant 0 : i32
      %dma_wait3A_34 = tpu.memref_slice %arg7[%multiple_of3A, %dma_wait3A_33] : memref<1280x128xf32, #tpu.memory_space<hbm>> -> memref<80x128xf32, #tpu.memory_space<hbm>>
      tpu.wait_dma2 semaphore(%run_scoped3A : memref<!tpu.dma_semaphore, #tpu.memory_space<semaphore_mem>>) src(%dma_wait3A_34 : memref<80x128xf32, #tpu.memory_space<hbm>>) dst(%arg13 : memref<80x128xf32, #tpu.memory_space<vmem>>)
      tpu.yield
    }) : () -> ()
    "tpu.region"() ({
      %run_scoped3A = tpu.sem_alloc : memref<!tpu.dma_semaphore, #tpu.memory_space<semaphore_mem>>
      %dma_start3A = arith.constant 0 : i32
      %dma_start3A_29 = tpu.memref_slice %arg11[%multiple_of3A, %dma_start3A] : memref<1280x128xf32, #tpu.memory_space<vmem_shared>> -> memref<80x128xf32, #tpu.memory_space<vmem_shared>>
      %dma_start3A_30 = arith.constant 0 : i32
      %dma_start3A_31 = tpu.memref_slice %arg11[%multiple_of3A, %dma_start3A_30] : memref<1280x128xf32, #tpu.memory_space<vmem_shared>> -> memref<80x128xf32, #tpu.memory_space<vmem_shared>>
      tpu.enqueue_dma source(%arg13 : memref<80x128xf32, #tpu.memory_space<vmem>>) target(%dma_start3A_31 : memref<80x128xf32, #tpu.memory_space<vmem_shared>>) target_semaphore(%run_scoped3A : memref<!tpu.dma_semaphore, #tpu.memory_space<semaphore_mem>>)
      %dma_wait3A = arith.constant 0 : i32
      %dma_wait3A_32 = tpu.memref_slice %arg11[%multiple_of3A, %dma_wait3A] : memref<1280x128xf32, #tpu.memory_space<vmem_shared>> -> memref<80x128xf32, #tpu.memory_space<vmem_shared>>
      %dma_wait3A_33 = arith.constant 0 : i32
      %dma_wait3A_34 = tpu.memref_slice %arg11[%multiple_of3A, %dma_wait3A_33] : memref<1280x128xf32, #tpu.memory_space<vmem_shared>> -> memref<80x128xf32, #tpu.memory_space<vmem_shared>>
      tpu.wait_dma2 semaphore(%run_scoped3A : memref<!tpu.dma_semaphore, #tpu.memory_space<semaphore_mem>>) src(%arg13 : memref<80x128xf32, #tpu.memory_space<vmem>>) dst(%dma_wait3A_34 : memref<80x128xf32, #tpu.memory_space<vmem_shared>>)
      tpu.yield
    }) : () -> ()
    %barrier3A = arith.constant 0 : index
    tpu.barrier barrier_id(%barrier3A)
    %scan3A_10 = arith.constant 0 : i32
    %scan3A_11 = arith.constant 0 : i32
    %scan3A_12 = arith.constant 125 : i32
    %scan3A_13 = arith.addi %scan3A_11, %scan3A_12 : i32
    %scan3A_14 = arith.constant 1 : i32
    scf.for %scan3A_29 = %scan3A_11 to %scan3A_13 step %scan3A_14  : i32 {
      %mul3A_30 = arith.constant 80 : i32
      %mul3A_31 = arith.muli %scan3A_29, %mul3A_30 : i32
      %add3A_32 = arith.addi %mul3A_2, %mul3A_31 : i32
      %multiple_of3A_33 = tpu.assume_multiple %add3A_32, 8 : i32
      "tpu.region"() ({
        %run_scoped3A = tpu.sem_alloc : memref<!tpu.dma_semaphore, #tpu.memory_space<semaphore_mem>>
        %dma_start3A_48 = tpu.memref_slice %arg4[%multiple_of3A_33] : memref<320000xi32, #tpu.memory_space<hbm>> -> memref<80xi32, #tpu.memory_space<hbm>>
        %dma_start3A_49 = tpu.memref_slice %arg4[%multiple_of3A_33] : memref<320000xi32, #tpu.memory_space<hbm>> -> memref<80xi32, #tpu.memory_space<hbm>>
        tpu.enqueue_dma source(%dma_start3A_49 : memref<80xi32, #tpu.memory_space<hbm>>) target(%arg14 : memref<80xi32, #tpu.memory_space<vmem>>) target_semaphore(%run_scoped3A : memref<!tpu.dma_semaphore, #tpu.memory_space<semaphore_mem>>)
        %dma_wait3A_50 = tpu.memref_slice %arg4[%multiple_of3A_33] : memref<320000xi32, #tpu.memory_space<hbm>> -> memref<80xi32, #tpu.memory_space<hbm>>
        %dma_wait3A_51 = tpu.memref_slice %arg4[%multiple_of3A_33] : memref<320000xi32, #tpu.memory_space<hbm>> -> memref<80xi32, #tpu.memory_space<hbm>>
        tpu.wait_dma2 semaphore(%run_scoped3A : memref<!tpu.dma_semaphore, #tpu.memory_space<semaphore_mem>>) src(%dma_wait3A_51 : memref<80xi32, #tpu.memory_space<hbm>>) dst(%arg14 : memref<80xi32, #tpu.memory_space<vmem>>)
        tpu.yield
      }) : () -> ()
      "tpu.region"() ({
        %run_scoped3A = tpu.sem_alloc : memref<!tpu.dma_semaphore, #tpu.memory_space<semaphore_mem>>
        %dma_start3A_48 = tpu.memref_slice %arg5[%multiple_of3A_33] : memref<320000xi32, #tpu.memory_space<hbm>> -> memref<80xi32, #tpu.memory_space<hbm>>
        %dma_start3A_49 = tpu.memref_slice %arg5[%multiple_of3A_33] : memref<320000xi32, #tpu.memory_space<hbm>> -> memref<80xi32, #tpu.memory_space<hbm>>
        tpu.enqueue_dma source(%dma_start3A_49 : memref<80xi32, #tpu.memory_space<hbm>>) target(%arg15 : memref<80xi32, #tpu.memory_space<vmem>>) target_semaphore(%run_scoped3A : memref<!tpu.dma_semaphore, #tpu.memory_space<semaphore_mem>>)
        %dma_wait3A_50 = tpu.memref_slice %arg5[%multiple_of3A_33] : memref<320000xi32, #tpu.memory_space<hbm>> -> memref<80xi32, #tpu.memory_space<hbm>>
        %dma_wait3A_51 = tpu.memref_slice %arg5[%multiple_of3A_33] : memref<320000xi32, #tpu.memory_space<hbm>> -> memref<80xi32, #tpu.memory_space<hbm>>
        tpu.wait_dma2 semaphore(%run_scoped3A : memref<!tpu.dma_semaphore, #tpu.memory_space<semaphore_mem>>) src(%dma_wait3A_51 : memref<80xi32, #tpu.memory_space<hbm>>) dst(%arg15 : memref<80xi32, #tpu.memory_space<vmem>>)
        tpu.yield
      }) : () -> ()
      %dma_start3A = arith.constant 0 : i32
      %dma_start3A_34 = tpu.memref_slice %arg2[%multiple_of3A_33, %dma_start3A] : memref<320000x128xf32, #tpu.memory_space<hbm>> -> memref<80x128xf32, #tpu.memory_space<hbm>>
      %dma_start3A_35 = arith.constant 0 : i32
      %dma_start3A_36 = tpu.memref_slice %arg2[%multiple_of3A_33, %dma_start3A_35] : memref<320000x128xf32, #tpu.memory_space<hbm>> -> memref<80x128xf32, #tpu.memory_space<hbm>>
      tpu.enqueue_dma source(%dma_start3A_36 : memref<80x128xf32, #tpu.memory_space<hbm>>) target(%arg12 : memref<80x128xf32, #tpu.memory_space<vmem>>) target_semaphore(%arg16 : memref<!tpu.dma_semaphore, #tpu.memory_space<semaphore_mem>>)
      %dma_start3A_37 = arith.constant 0 : i32
      %dma_start3A_38 = tpu.memref_slice %arg3[%multiple_of3A_33, %dma_start3A_37] : memref<320000x128xf32, #tpu.memory_space<hbm>> -> memref<80x128xf32, #tpu.memory_space<hbm>>
      %dma_start3A_39 = arith.constant 0 : i32
      %dma_start3A_40 = tpu.memref_slice %arg3[%multiple_of3A_33, %dma_start3A_39] : memref<320000x128xf32, #tpu.memory_space<hbm>> -> memref<80x128xf32, #tpu.memory_space<hbm>>
      tpu.enqueue_dma source(%dma_start3A_40 : memref<80x128xf32, #tpu.memory_space<hbm>>) target(%arg13 : memref<80x128xf32, #tpu.memory_space<vmem>>) target_semaphore(%arg16 : memref<!tpu.dma_semaphore, #tpu.memory_space<semaphore_mem>>)
      %dma_wait3A = arith.constant 0 : i32
      %dma_wait3A_41 = tpu.memref_slice %arg2[%multiple_of3A_33, %dma_wait3A] : memref<320000x128xf32, #tpu.memory_space<hbm>> -> memref<80x128xf32, #tpu.memory_space<hbm>>
      %dma_wait3A_42 = arith.constant 0 : i32
      %dma_wait3A_43 = tpu.memref_slice %arg2[%multiple_of3A_33, %dma_wait3A_42] : memref<320000x128xf32, #tpu.memory_space<hbm>> -> memref<80x128xf32, #tpu.memory_space<hbm>>
      tpu.wait_dma2 semaphore(%arg16 : memref<!tpu.dma_semaphore, #tpu.memory_space<semaphore_mem>>) src(%dma_wait3A_43 : memref<80x128xf32, #tpu.memory_space<hbm>>) dst(%arg12 : memref<80x128xf32, #tpu.memory_space<vmem>>)
      %dma_wait3A_44 = arith.constant 0 : i32
      %dma_wait3A_45 = tpu.memref_slice %arg3[%multiple_of3A_33, %dma_wait3A_44] : memref<320000x128xf32, #tpu.memory_space<hbm>> -> memref<80x128xf32, #tpu.memory_space<hbm>>
      %dma_wait3A_46 = arith.constant 0 : i32
      %dma_wait3A_47 = tpu.memref_slice %arg3[%multiple_of3A_33, %dma_wait3A_46] : memref<320000x128xf32, #tpu.memory_space<hbm>> -> memref<80x128xf32, #tpu.memory_space<hbm>>
      tpu.wait_dma2 semaphore(%arg16 : memref<!tpu.dma_semaphore, #tpu.memory_space<semaphore_mem>>) src(%dma_wait3A_47 : memref<80x128xf32, #tpu.memory_space<hbm>>) dst(%arg13 : memref<80x128xf32, #tpu.memory_space<vmem>>)
      "tpu.region"() ({
        %run_scoped3A = tpu.sem_alloc : memref<!tpu.dma_semaphore, #tpu.memory_space<semaphore_mem>>
        %dma_start3A_48 = arith.constant 0 : i32
        %dma_start3A_49 = arith.constant 0 : i32
        %dma_start3A_50 = tpu.memref_slice %arg10[%dma_start3A_48, %dma_start3A_49] : memref<10240x128xf32, #tpu.memory_space<vmem_shared>> -> memref<10240x128xf32, #tpu.memory_space<vmem_shared>>
        tpu.enqueue_indirect_dma source(%arg12 : memref<80x128xf32, #tpu.memory_space<vmem>>) target(%dma_start3A_50 : memref<10240x128xf32, #tpu.memory_space<vmem_shared>>) offsets(%arg14 : memref<80xi32, #tpu.memory_space<vmem>>) semaphore(%run_scoped3A : memref<!tpu.dma_semaphore, #tpu.memory_space<semaphore_mem>>) {add = true}
        %dma_wait3A_51 = arith.constant 0 : i32
        %dma_wait3A_52 = arith.constant 0 : i32
        %dma_wait3A_53 = tpu.memref_slice %arg10[%dma_wait3A_51, %dma_wait3A_52] : memref<10240x128xf32, #tpu.memory_space<vmem_shared>> -> memref<10240x128xf32, #tpu.memory_space<vmem_shared>>
        tpu.wait_indirect_dma semaphore(%run_scoped3A : memref<!tpu.dma_semaphore, #tpu.memory_space<semaphore_mem>>) src(%arg12 : memref<80x128xf32, #tpu.memory_space<vmem>>) dst(%dma_wait3A_53 : memref<10240x128xf32, #tpu.memory_space<vmem_shared>>)
        tpu.yield
      }) : () -> ()
      "tpu.region"() ({
        %run_scoped3A = tpu.sem_alloc : memref<!tpu.dma_semaphore, #tpu.memory_space<semaphore_mem>>
        %dma_start3A_48 = arith.constant 0 : i32
        %dma_start3A_49 = arith.constant 0 : i32
        %dma_start3A_50 = tpu.memref_slice %arg11[%dma_start3A_48, %dma_start3A_49] : memref<1280x128xf32, #tpu.memory_space<vmem_shared>> -> memref<1280x128xf32, #tpu.memory_space<vmem_shared>>
        tpu.enqueue_indirect_dma source(%arg13 : memref<80x128xf32, #tpu.memory_space<vmem>>) target(%dma_start3A_50 : memref<1280x128xf32, #tpu.memory_space<vmem_shared>>) offsets(%arg15 : memref<80xi32, #tpu.memory_space<vmem>>) semaphore(%run_scoped3A : memref<!tpu.dma_semaphore, #tpu.memory_space<semaphore_mem>>) {add = true}
        %dma_wait3A_51 = arith.constant 0 : i32
        %dma_wait3A_52 = arith.constant 0 : i32
        %dma_wait3A_53 = tpu.memref_slice %arg11[%dma_wait3A_51, %dma_wait3A_52] : memref<1280x128xf32, #tpu.memory_space<vmem_shared>> -> memref<1280x128xf32, #tpu.memory_space<vmem_shared>>
        tpu.wait_indirect_dma semaphore(%run_scoped3A : memref<!tpu.dma_semaphore, #tpu.memory_space<semaphore_mem>>) src(%arg13 : memref<80x128xf32, #tpu.memory_space<vmem>>) dst(%dma_wait3A_53 : memref<1280x128xf32, #tpu.memory_space<vmem_shared>>)
        tpu.yield
      }) : () -> ()
    }
    %scan3A_15 = arith.constant 125 : i32
    %barrier3A_16 = arith.constant 0 : index
    tpu.barrier barrier_id(%barrier3A_16)
    %scan3A_17 = arith.constant 0 : i32
    %scan3A_18 = arith.constant 0 : i32
    %scan3A_19 = arith.constant 8 : i32
    %scan3A_20 = arith.addi %scan3A_18, %scan3A_19 : i32
    %scan3A_21 = arith.constant 1 : i32
    scf.for %scan3A_29 = %scan3A_18 to %scan3A_20 step %scan3A_21  : i32 {
      %mul3A_30 = arith.constant 8 : i32
      %mul3A_31 = arith.muli %arg1, %mul3A_30 : i32
      %add3A_32 = arith.addi %mul3A_31, %scan3A_29 : i32
      %mul3A_33 = arith.constant 80 : i32
      %mul3A_34 = arith.muli %add3A_32, %mul3A_33 : i32
      %multiple_of3A_35 = tpu.assume_multiple %mul3A_34, 8 : i32
      %mul3A_36 = arith.constant 10240 : i32
      %mul3A_37 = arith.muli %arg0, %mul3A_36 : i32
      %mul3A_38 = arith.constant 8 : i32
      %mul3A_39 = arith.muli %arg1, %mul3A_38 : i32
      %add3A_40 = arith.addi %mul3A_39, %scan3A_29 : i32
      %mul3A_41 = arith.constant 80 : i32
      %mul3A_42 = arith.muli %add3A_40, %mul3A_41 : i32
      %add3A_43 = arith.addi %mul3A_37, %mul3A_42 : i32
      %multiple_of3A_44 = tpu.assume_multiple %add3A_43, 8 : i32
      "tpu.region"() ({
        %run_scoped3A = tpu.sem_alloc : memref<!tpu.dma_semaphore, #tpu.memory_space<semaphore_mem>>
        %dma_start3A = arith.constant 0 : i32
        %dma_start3A_45 = tpu.memref_slice %arg10[%multiple_of3A_35, %dma_start3A] : memref<10240x128xf32, #tpu.memory_space<vmem_shared>> -> memref<80x128xf32, #tpu.memory_space<vmem_shared>>
        %dma_start3A_46 = arith.constant 0 : i32
        %dma_start3A_47 = tpu.memref_slice %arg10[%multiple_of3A_35, %dma_start3A_46] : memref<10240x128xf32, #tpu.memory_space<vmem_shared>> -> memref<80x128xf32, #tpu.memory_space<vmem_shared>>
        tpu.enqueue_dma source(%dma_start3A_47 : memref<80x128xf32, #tpu.memory_space<vmem_shared>>) target(%arg12 : memref<80x128xf32, #tpu.memory_space<vmem>>) target_semaphore(%run_scoped3A : memref<!tpu.dma_semaphore, #tpu.memory_space<semaphore_mem>>)
        %dma_wait3A = arith.constant 0 : i32
        %dma_wait3A_48 = tpu.memref_slice %arg10[%multiple_of3A_35, %dma_wait3A] : memref<10240x128xf32, #tpu.memory_space<vmem_shared>> -> memref<80x128xf32, #tpu.memory_space<vmem_shared>>
        %dma_wait3A_49 = arith.constant 0 : i32
        %dma_wait3A_50 = tpu.memref_slice %arg10[%multiple_of3A_35, %dma_wait3A_49] : memref<10240x128xf32, #tpu.memory_space<vmem_shared>> -> memref<80x128xf32, #tpu.memory_space<vmem_shared>>
        tpu.wait_dma2 semaphore(%run_scoped3A : memref<!tpu.dma_semaphore, #tpu.memory_space<semaphore_mem>>) src(%dma_wait3A_50 : memref<80x128xf32, #tpu.memory_space<vmem_shared>>) dst(%arg12 : memref<80x128xf32, #tpu.memory_space<vmem>>)
        tpu.yield
      }) : () -> ()
      "tpu.region"() ({
        %run_scoped3A = tpu.sem_alloc : memref<!tpu.dma_semaphore, #tpu.memory_space<semaphore_mem>>
        %dma_start3A = arith.constant 0 : i32
        %dma_start3A_45 = tpu.memref_slice %arg8[%multiple_of3A_44, %dma_start3A] : memref<20480x128xf32, #tpu.memory_space<hbm>> -> memref<80x128xf32, #tpu.memory_space<hbm>>
        %dma_start3A_46 = arith.constant 0 : i32
        %dma_start3A_47 = tpu.memref_slice %arg8[%multiple_of3A_44, %dma_start3A_46] : memref<20480x128xf32, #tpu.memory_space<hbm>> -> memref<80x128xf32, #tpu.memory_space<hbm>>
        tpu.enqueue_dma source(%arg12 : memref<80x128xf32, #tpu.memory_space<vmem>>) target(%dma_start3A_47 : memref<80x128xf32, #tpu.memory_space<hbm>>) target_semaphore(%run_scoped3A : memref<!tpu.dma_semaphore, #tpu.memory_space<semaphore_mem>>)
        %dma_wait3A = arith.constant 0 : i32
        %dma_wait3A_48 = tpu.memref_slice %arg8[%multiple_of3A_44, %dma_wait3A] : memref<20480x128xf32, #tpu.memory_space<hbm>> -> memref<80x128xf32, #tpu.memory_space<hbm>>
        %dma_wait3A_49 = arith.constant 0 : i32
        %dma_wait3A_50 = tpu.memref_slice %arg8[%multiple_of3A_44, %dma_wait3A_49] : memref<20480x128xf32, #tpu.memory_space<hbm>> -> memref<80x128xf32, #tpu.memory_space<hbm>>
        tpu.wait_dma2 semaphore(%run_scoped3A : memref<!tpu.dma_semaphore, #tpu.memory_space<semaphore_mem>>) src(%arg12 : memref<80x128xf32, #tpu.memory_space<vmem>>) dst(%dma_wait3A_50 : memref<80x128xf32, #tpu.memory_space<hbm>>)
        tpu.yield
      }) : () -> ()
    }
    %scan3A_22 = arith.constant 8 : i32
    %mul3A_23 = arith.constant 1280 : i32
    %mul3A_24 = arith.muli %arg0, %mul3A_23 : i32
    %mul3A_25 = arith.constant 80 : i32
    %mul3A_26 = arith.muli %arg1, %mul3A_25 : i32
    %add3A_27 = arith.addi %mul3A_24, %mul3A_26 : i32
    %multiple_of3A_28 = tpu.assume_multiple %add3A_27, 8 : i32
    "tpu.region"() ({
      %run_scoped3A = tpu.sem_alloc : memref<!tpu.dma_semaphore, #tpu.memory_space<semaphore_mem>>
      %dma_start3A = arith.constant 0 : i32
      %dma_start3A_29 = tpu.memref_slice %arg11[%multiple_of3A, %dma_start3A] : memref<1280x128xf32, #tpu.memory_space<vmem_shared>> -> memref<80x128xf32, #tpu.memory_space<vmem_shared>>
      %dma_start3A_30 = arith.constant 0 : i32
      %dma_start3A_31 = tpu.memref_slice %arg11[%multiple_of3A, %dma_start3A_30] : memref<1280x128xf32, #tpu.memory_space<vmem_shared>> -> memref<80x128xf32, #tpu.memory_space<vmem_shared>>
      tpu.enqueue_dma source(%dma_start3A_31 : memref<80x128xf32, #tpu.memory_space<vmem_shared>>) target(%arg13 : memref<80x128xf32, #tpu.memory_space<vmem>>) target_semaphore(%run_scoped3A : memref<!tpu.dma_semaphore, #tpu.memory_space<semaphore_mem>>)
      %dma_wait3A = arith.constant 0 : i32
      %dma_wait3A_32 = tpu.memref_slice %arg11[%multiple_of3A, %dma_wait3A] : memref<1280x128xf32, #tpu.memory_space<vmem_shared>> -> memref<80x128xf32, #tpu.memory_space<vmem_shared>>
      %dma_wait3A_33 = arith.constant 0 : i32
      %dma_wait3A_34 = tpu.memref_slice %arg11[%multiple_of3A, %dma_wait3A_33] : memref<1280x128xf32, #tpu.memory_space<vmem_shared>> -> memref<80x128xf32, #tpu.memory_space<vmem_shared>>
      tpu.wait_dma2 semaphore(%run_scoped3A : memref<!tpu.dma_semaphore, #tpu.memory_space<semaphore_mem>>) src(%dma_wait3A_34 : memref<80x128xf32, #tpu.memory_space<vmem_shared>>) dst(%arg13 : memref<80x128xf32, #tpu.memory_space<vmem>>)
      tpu.yield
    }) : () -> ()
    "tpu.region"() ({
      %run_scoped3A = tpu.sem_alloc : memref<!tpu.dma_semaphore, #tpu.memory_space<semaphore_mem>>
      %dma_start3A = arith.constant 0 : i32
      %dma_start3A_29 = tpu.memref_slice %arg9[%multiple_of3A_28, %dma_start3A] : memref<2560x128xf32, #tpu.memory_space<hbm>> -> memref<80x128xf32, #tpu.memory_space<hbm>>
      %dma_start3A_30 = arith.constant 0 : i32
      %dma_start3A_31 = tpu.memref_slice %arg9[%multiple_of3A_28, %dma_start3A_30] : memref<2560x128xf32, #tpu.memory_space<hbm>> -> memref<80x128xf32, #tpu.memory_space<hbm>>
      tpu.enqueue_dma source(%arg13 : memref<80x128xf32, #tpu.memory_space<vmem>>) target(%dma_start3A_31 : memref<80x128xf32, #tpu.memory_space<hbm>>) target_semaphore(%run_scoped3A : memref<!tpu.dma_semaphore, #tpu.memory_space<semaphore_mem>>)
      %dma_wait3A = arith.constant 0 : i32
      %dma_wait3A_32 = tpu.memref_slice %arg9[%multiple_of3A_28, %dma_wait3A] : memref<2560x128xf32, #tpu.memory_space<hbm>> -> memref<80x128xf32, #tpu.memory_space<hbm>>
      %dma_wait3A_33 = arith.constant 0 : i32
      %dma_wait3A_34 = tpu.memref_slice %arg9[%multiple_of3A_28, %dma_wait3A_33] : memref<2560x128xf32, #tpu.memory_space<hbm>> -> memref<80x128xf32, #tpu.memory_space<hbm>>
      tpu.wait_dma2 semaphore(%run_scoped3A : memref<!tpu.dma_semaphore, #tpu.memory_space<semaphore_mem>>) src(%arg13 : memref<80x128xf32, #tpu.memory_space<vmem>>) dst(%dma_wait3A_34 : memref<80x128xf32, #tpu.memory_space<hbm>>)
      tpu.yield
    }) : () -> ()
    return
  }
}

module attributes {stable_mosaic.version = 14 : i64} {
  func.func @_edge_body(%arg0: i32, %arg1: memref<1280x128xi32, #tpu.memory_space<vmem>>, %arg2: memref<1280x128xi32, #tpu.memory_space<vmem>>, %arg3: memref<1280x16xf32, #tpu.memory_space<vmem>>, %arg4: memref<400x576xbf16, #tpu.memory_space<vmem>>, %arg5: memref<1x576xf32, #tpu.memory_space<vmem>>, %arg6: memref<576x128xf32, #tpu.memory_space<vmem>>, %arg7: memref<1x128xf32, #tpu.memory_space<vmem>>, %arg8: memref<16x128xf32, #tpu.memory_space<vmem>>, %arg9: memref<16x128xf32, #tpu.memory_space<vmem>>, %arg10: memref<128x256xf32, #tpu.memory_space<vmem>>, %arg11: memref<256x16xf32, #tpu.memory_space<vmem>>, %arg12: memref<1x16xf32, #tpu.memory_space<vmem>>, %arg13: memref<8x128xf32, #tpu.memory_space<vmem>>, %arg14: memref<1280x128xf32, #tpu.memory_space<vmem>>, %arg15: memref<1280x128xf32, #tpu.memory_space<vmem>>) attributes {dimension_semantics = [#tpu.dimension_semantics<arbitrary>], iteration_bounds = array<i64: 250>, scalar_prefetch = 0 : i64, scratch_operands = 0 : i64, tpu.core_type = #tpu.core_type<tc>, window_params = [{transform_indices = @transform_0, window_bounds = array<i64: 1280, 128>}, {transform_indices = @transform_1, window_bounds = array<i64: 1280, 128>}, {transform_indices = @transform_2, window_bounds = array<i64: 1280, 16>}, {pipeline_mode = #tpu.pipeline_mode<synchronous>, transform_indices = @transform_3, window_bounds = array<i64: 400, 576>}, {pipeline_mode = #tpu.pipeline_mode<synchronous>, transform_indices = @transform_4, window_bounds = array<i64: 1, 576>}, {pipeline_mode = #tpu.pipeline_mode<synchronous>, transform_indices = @transform_5, window_bounds = array<i64: 576, 128>}, {pipeline_mode = #tpu.pipeline_mode<synchronous>, transform_indices = @transform_6, window_bounds = array<i64: 1, 128>}, {pipeline_mode = #tpu.pipeline_mode<synchronous>, transform_indices = @transform_7, window_bounds = array<i64: 16, 128>}, {pipeline_mode = #tpu.pipeline_mode<synchronous>, transform_indices = @transform_8, window_bounds = array<i64: 16, 128>}, {pipeline_mode = #tpu.pipeline_mode<synchronous>, transform_indices = @transform_9, window_bounds = array<i64: 128, 256>}, {pipeline_mode = #tpu.pipeline_mode<synchronous>, transform_indices = @transform_10, window_bounds = array<i64: 256, 16>}, {pipeline_mode = #tpu.pipeline_mode<synchronous>, transform_indices = @transform_11, window_bounds = array<i64: 1, 16>}, {pipeline_mode = #tpu.pipeline_mode<synchronous>, transform_indices = @transform_12, window_bounds = array<i64: 8, 128>}, {transform_indices = @transform_13, window_bounds = array<i64: 1280, 128>}, {transform_indices = @transform_14, window_bounds = array<i64: 1280, 128>}]} {
    %get3A = arith.constant 0 : index
    %get3A_0 = arith.constant 0 : index
    %get3A_1 = vector.load %arg1[%get3A, %get3A_0] : memref<1280x128xi32, #tpu.memory_space<vmem>>, vector<1280x128xi32>
    %get3A_2 = arith.constant 0 : index
    %get3A_3 = arith.constant 0 : index
    %get3A_4 = vector.load %arg2[%get3A_2, %get3A_3] : memref<1280x128xi32, #tpu.memory_space<vmem>>, vector<1280x128xi32>
    %slice3A = vector.extract_strided_slice %get3A_1 {offsets = [0, 64], sizes = [1280, 8], strides = [1, 1]} : vector<1280x128xi32> to vector<1280x8xi32>
    %shift_left3A = arith.constant 16 : i32
    %shift_left3A_5 = vector.broadcast %shift_left3A : i32 to vector<1280x8xi32>
    %shift_left3A_6 = arith.shli %slice3A, %shift_left3A_5 : vector<1280x8xi32>
    %bitcast_convert_type3A = tpu.bitcast %shift_left3A_6 : vector<1280x8xi32> -> vector<1280x8xf32>
    %slice3A_7 = vector.extract_strided_slice %get3A_4 {offsets = [0, 64], sizes = [1280, 8], strides = [1, 1]} : vector<1280x128xi32> to vector<1280x8xi32>
    %shift_left3A_8 = arith.constant 16 : i32
    %shift_left3A_9 = vector.broadcast %shift_left3A_8 : i32 to vector<1280x8xi32>
    %shift_left3A_10 = arith.shli %slice3A_7, %shift_left3A_9 : vector<1280x8xi32>
    %bitcast_convert_type3A_11 = tpu.bitcast %shift_left3A_10 : vector<1280x8xi32> -> vector<1280x8xf32>
    %sub3A = arith.subf %bitcast_convert_type3A, %bitcast_convert_type3A_11 : vector<1280x8xf32>
    %slice3A_12 = vector.extract_strided_slice %get3A_1 {offsets = [0, 64], sizes = [1280, 8], strides = [1, 1]} : vector<1280x128xi32> to vector<1280x8xi32>
    %and3A = arith.constant -65536 : i32
    %and3A_13 = vector.broadcast %and3A : i32 to vector<1280x8xi32>
    %and3A_14 = arith.andi %slice3A_12, %and3A_13 : vector<1280x8xi32>
    %bitcast_convert_type3A_15 = tpu.bitcast %and3A_14 : vector<1280x8xi32> -> vector<1280x8xf32>
    %slice3A_16 = vector.extract_strided_slice %get3A_4 {offsets = [0, 64], sizes = [1280, 8], strides = [1, 1]} : vector<1280x128xi32> to vector<1280x8xi32>
    %and3A_17 = arith.constant -65536 : i32
    %and3A_18 = vector.broadcast %and3A_17 : i32 to vector<1280x8xi32>
    %and3A_19 = arith.andi %slice3A_16, %and3A_18 : vector<1280x8xi32>
    %bitcast_convert_type3A_20 = tpu.bitcast %and3A_19 : vector<1280x8xi32> -> vector<1280x8xf32>
    %sub3A_21 = arith.subf %bitcast_convert_type3A_15, %bitcast_convert_type3A_20 : vector<1280x8xf32>
    %concatenate3A = tpu.concatenate %sub3A, %sub3A_21 in 1 : vector<1280x8xf32>, vector<1280x8xf32> -> vector<1280x16xf32>
    %slice3A_22 = vector.extract_strided_slice %get3A_1 {offsets = [0, 72], sizes = [1280, 4], strides = [1, 1]} : vector<1280x128xi32> to vector<1280x4xi32>
    %shift_left3A_23 = arith.constant 16 : i32
    %shift_left3A_24 = vector.broadcast %shift_left3A_23 : i32 to vector<1280x4xi32>
    %shift_left3A_25 = arith.shli %slice3A_22, %shift_left3A_24 : vector<1280x4xi32>
    %bitcast_convert_type3A_26 = tpu.bitcast %shift_left3A_25 : vector<1280x4xi32> -> vector<1280x4xf32>
    %slice3A_27 = vector.extract_strided_slice %get3A_1 {offsets = [0, 72], sizes = [1280, 4], strides = [1, 1]} : vector<1280x128xi32> to vector<1280x4xi32>
    %and3A_28 = arith.constant -65536 : i32
    %and3A_29 = vector.broadcast %and3A_28 : i32 to vector<1280x4xi32>
    %and3A_30 = arith.andi %slice3A_27, %and3A_29 : vector<1280x4xi32>
    %bitcast_convert_type3A_31 = tpu.bitcast %and3A_30 : vector<1280x4xi32> -> vector<1280x4xf32>
    %concatenate3A_32 = tpu.concatenate %bitcast_convert_type3A_26, %bitcast_convert_type3A_31 in 1 : vector<1280x4xf32>, vector<1280x4xf32> -> vector<1280x8xf32>
    %get3A_33 = arith.constant 0 : index
    %get3A_34 = arith.constant 0 : index
    %get3A_35 = vector.load %arg8[%get3A_33, %get3A_34] : memref<16x128xf32, #tpu.memory_space<vmem>>, vector<16x128xf32>
    %convert_element_type3A = arith.truncf %concatenate3A : vector<1280x16xf32> to vector<1280x16xbf16>
    %convert_element_type3A_36 = arith.truncf %get3A_35 : vector<16x128xf32> to vector<16x128xbf16>
    %dot_general3A = arith.constant dense<0.000000e+00> : vector<1280x128xf32>
    %dot_general3A_37 = tpu.matmul %convert_element_type3A, %convert_element_type3A_36, %dot_general3A {dimension_numbers = #tpu.dot_dimension_numbers<[1], [0], [0], [1], [0, 0, 1, 1], [], []>, transpose_lhs_hint = false} : vector<1280x16xbf16>, vector<16x128xbf16>, vector<1280x128xf32> -> vector<1280x128xf32>
    %get3A_38 = arith.constant 0 : index
    %get3A_39 = arith.constant 0 : index
    %get3A_40 = vector.load %arg9[%get3A_38, %get3A_39] : memref<16x128xf32, #tpu.memory_space<vmem>>, vector<16x128xf32>
    %convert_element_type3A_41 = arith.truncf %concatenate3A : vector<1280x16xf32> to vector<1280x16xbf16>
    %convert_element_type3A_42 = arith.truncf %get3A_40 : vector<16x128xf32> to vector<16x128xbf16>
    %dot_general3A_43 = arith.constant dense<0.000000e+00> : vector<1280x128xf32>
    %dot_general3A_44 = tpu.matmul %convert_element_type3A_41, %convert_element_type3A_42, %dot_general3A_43 {dimension_numbers = #tpu.dot_dimension_numbers<[1], [0], [0], [1], [0, 0, 1, 1], [], []>, transpose_lhs_hint = false} : vector<1280x16xbf16>, vector<16x128xbf16>, vector<1280x128xf32> -> vector<1280x128xf32>
    %mul3A = arith.mulf %dot_general3A_37, %dot_general3A_44 : vector<1280x128xf32>
    %slice3A_45 = vector.extract_strided_slice %get3A_1 {offsets = [0, 0], sizes = [1280, 64], strides = [1, 1]} : vector<1280x128xi32> to vector<1280x64xi32>
    %shift_left3A_46 = arith.constant 16 : i32
    %shift_left3A_47 = vector.broadcast %shift_left3A_46 : i32 to vector<1280x64xi32>
    %shift_left3A_48 = arith.shli %slice3A_45, %shift_left3A_47 : vector<1280x64xi32>
    %bitcast_convert_type3A_49 = tpu.bitcast %shift_left3A_48 : vector<1280x64xi32> -> vector<1280x64xf32>
    %slice3A_50 = vector.extract_strided_slice %get3A_1 {offsets = [0, 0], sizes = [1280, 64], strides = [1, 1]} : vector<1280x128xi32> to vector<1280x64xi32>
    %and3A_51 = arith.constant -65536 : i32
    %and3A_52 = vector.broadcast %and3A_51 : i32 to vector<1280x64xi32>
    %and3A_53 = arith.andi %slice3A_50, %and3A_52 : vector<1280x64xi32>
    %bitcast_convert_type3A_54 = tpu.bitcast %and3A_53 : vector<1280x64xi32> -> vector<1280x64xf32>
    %slice3A_55 = vector.extract_strided_slice %get3A_4 {offsets = [0, 0], sizes = [1280, 64], strides = [1, 1]} : vector<1280x128xi32> to vector<1280x64xi32>
    %shift_left3A_56 = arith.constant 16 : i32
    %shift_left3A_57 = vector.broadcast %shift_left3A_56 : i32 to vector<1280x64xi32>
    %shift_left3A_58 = arith.shli %slice3A_55, %shift_left3A_57 : vector<1280x64xi32>
    %bitcast_convert_type3A_59 = tpu.bitcast %shift_left3A_58 : vector<1280x64xi32> -> vector<1280x64xf32>
    %slice3A_60 = vector.extract_strided_slice %get3A_4 {offsets = [0, 0], sizes = [1280, 64], strides = [1, 1]} : vector<1280x128xi32> to vector<1280x64xi32>
    %and3A_61 = arith.constant -65536 : i32
    %and3A_62 = vector.broadcast %and3A_61 : i32 to vector<1280x64xi32>
    %and3A_63 = arith.andi %slice3A_60, %and3A_62 : vector<1280x64xi32>
    %bitcast_convert_type3A_64 = tpu.bitcast %and3A_63 : vector<1280x64xi32> -> vector<1280x64xf32>
    %get3A_65 = arith.constant 0 : index
    %get3A_66 = arith.constant 0 : index
    %get3A_67 = vector.load %arg3[%get3A_65, %get3A_66] : memref<1280x16xf32, #tpu.memory_space<vmem>>, vector<1280x16xf32>
    %concatenate3A_68 = tpu.concatenate %bitcast_convert_type3A_49, %bitcast_convert_type3A_54, %bitcast_convert_type3A_59, %bitcast_convert_type3A_64, %mul3A, %get3A_67 in 1 : vector<1280x64xf32>, vector<1280x64xf32>, vector<1280x64xf32>, vector<1280x64xf32>, vector<1280x128xf32>, vector<1280x16xf32> -> vector<1280x400xf32>
    %convert_element_type3A_69 = arith.truncf %concatenate3A_68 : vector<1280x400xf32> to vector<1280x400xbf16>
    %get3A_70 = arith.constant 0 : index
    %get3A_71 = arith.constant 0 : index
    %get3A_72 = vector.load %arg4[%get3A_70, %get3A_71] : memref<400x576xbf16, #tpu.memory_space<vmem>>, vector<400x576xbf16>
    %dot_general3A_73 = arith.constant dense<0.000000e+00> : vector<1280x576xf32>
    %dot_general3A_74 = tpu.matmul %convert_element_type3A_69, %get3A_72, %dot_general3A_73 {dimension_numbers = #tpu.dot_dimension_numbers<[1], [0], [0], [1], [0, 0, 1, 1], [], []>, transpose_lhs_hint = false} : vector<1280x400xbf16>, vector<400x576xbf16>, vector<1280x576xf32> -> vector<1280x576xf32>
    %get3A_75 = arith.constant 0 : index
    %get3A_76 = arith.constant 0 : index
    %get3A_77 = vector.load %arg5[%get3A_75, %get3A_76] : memref<1x576xf32, #tpu.memory_space<vmem>>, vector<1x576xf32>
    %add3A = vector.broadcast %get3A_77 : vector<1x576xf32> to vector<1280x576xf32>
    %add3A_78 = arith.addf %dot_general3A_74, %add3A : vector<1280x576xf32>
    %logistic3A = arith.negf %add3A_78 : vector<1280x576xf32>
    %logistic3A_79 = math.exp %logistic3A : vector<1280x576xf32>
    %logistic3A_80 = arith.constant 1.000000e+00 : f32
    %logistic3A_81 = vector.broadcast %logistic3A_80 : f32 to vector<1280x576xf32>
    %logistic3A_82 = arith.addf %logistic3A_81, %logistic3A_79 : vector<1280x576xf32>
    %logistic3A_83 = arith.divf %logistic3A_81, %logistic3A_82 : vector<1280x576xf32>
    %mul3A_84 = arith.mulf %add3A_78, %logistic3A_83 : vector<1280x576xf32>
    %get3A_85 = arith.constant 0 : index
    %get3A_86 = arith.constant 0 : index
    %get3A_87 = vector.load %arg6[%get3A_85, %get3A_86] : memref<576x128xf32, #tpu.memory_space<vmem>>, vector<576x128xf32>
    %convert_element_type3A_88 = arith.truncf %mul3A_84 : vector<1280x576xf32> to vector<1280x576xbf16>
    %convert_element_type3A_89 = arith.truncf %get3A_87 : vector<576x128xf32> to vector<576x128xbf16>
    %dot_general3A_90 = arith.constant dense<0.000000e+00> : vector<1280x128xf32>
    %dot_general3A_91 = tpu.matmul %convert_element_type3A_88, %convert_element_type3A_89, %dot_general3A_90 {dimension_numbers = #tpu.dot_dimension_numbers<[1], [0], [0], [1], [0, 0, 1, 1], [], []>, transpose_lhs_hint = false} : vector<1280x576xbf16>, vector<576x128xbf16>, vector<1280x128xf32> -> vector<1280x128xf32>
    %get3A_92 = arith.constant 0 : index
    %get3A_93 = arith.constant 0 : index
    %get3A_94 = vector.load %arg7[%get3A_92, %get3A_93] : memref<1x128xf32, #tpu.memory_space<vmem>>, vector<1x128xf32>
    %add3A_95 = vector.broadcast %get3A_94 : vector<1x128xf32> to vector<1280x128xf32>
    %add3A_96 = arith.addf %dot_general3A_91, %add3A_95 : vector<1280x128xf32>
    %logistic3A_97 = arith.negf %add3A_96 : vector<1280x128xf32>
    %logistic3A_98 = math.exp %logistic3A_97 : vector<1280x128xf32>
    %logistic3A_99 = arith.constant 1.000000e+00 : f32
    %logistic3A_100 = vector.broadcast %logistic3A_99 : f32 to vector<1280x128xf32>
    %logistic3A_101 = arith.addf %logistic3A_100, %logistic3A_98 : vector<1280x128xf32>
    %logistic3A_102 = arith.divf %logistic3A_100, %logistic3A_101 : vector<1280x128xf32>
    %mul3A_103 = arith.mulf %add3A_96, %logistic3A_102 : vector<1280x128xf32>
    %get3A_104 = arith.constant 0 : index
    %get3A_105 = arith.constant 0 : index
    %get3A_106 = vector.load %arg10[%get3A_104, %get3A_105] : memref<128x256xf32, #tpu.memory_space<vmem>>, vector<128x256xf32>
    %convert_element_type3A_107 = arith.truncf %mul3A_103 : vector<1280x128xf32> to vector<1280x128xbf16>
    %convert_element_type3A_108 = arith.truncf %get3A_106 : vector<128x256xf32> to vector<128x256xbf16>
    %dot_general3A_109 = arith.constant dense<0.000000e+00> : vector<1280x256xf32>
    %dot_general3A_110 = tpu.matmul %convert_element_type3A_107, %convert_element_type3A_108, %dot_general3A_109 {dimension_numbers = #tpu.dot_dimension_numbers<[1], [0], [0], [1], [0, 0, 1, 1], [], []>, transpose_lhs_hint = false} : vector<1280x128xbf16>, vector<128x256xbf16>, vector<1280x256xf32> -> vector<1280x256xf32>
    %logistic3A_111 = arith.negf %dot_general3A_110 : vector<1280x256xf32>
    %logistic3A_112 = math.exp %logistic3A_111 : vector<1280x256xf32>
    %logistic3A_113 = arith.constant 1.000000e+00 : f32
    %logistic3A_114 = vector.broadcast %logistic3A_113 : f32 to vector<1280x256xf32>
    %logistic3A_115 = arith.addf %logistic3A_114, %logistic3A_112 : vector<1280x256xf32>
    %logistic3A_116 = arith.divf %logistic3A_114, %logistic3A_115 : vector<1280x256xf32>
    %mul3A_117 = arith.mulf %dot_general3A_110, %logistic3A_116 : vector<1280x256xf32>
    %get3A_118 = arith.constant 0 : index
    %get3A_119 = arith.constant 0 : index
    %get3A_120 = vector.load %arg11[%get3A_118, %get3A_119] : memref<256x16xf32, #tpu.memory_space<vmem>>, vector<256x16xf32>
    %convert_element_type3A_121 = arith.truncf %mul3A_117 : vector<1280x256xf32> to vector<1280x256xbf16>
    %convert_element_type3A_122 = arith.truncf %get3A_120 : vector<256x16xf32> to vector<256x16xbf16>
    %dot_general3A_123 = arith.constant dense<0.000000e+00> : vector<1280x16xf32>
    %dot_general3A_124 = tpu.matmul %convert_element_type3A_121, %convert_element_type3A_122, %dot_general3A_123 {dimension_numbers = #tpu.dot_dimension_numbers<[1], [0], [0], [1], [0, 0, 1, 1], [], []>, transpose_lhs_hint = false} : vector<1280x256xbf16>, vector<256x16xbf16>, vector<1280x16xf32> -> vector<1280x16xf32>
    %swap3A = arith.constant 0 : index
    %swap3A_125 = arith.constant 0 : index
    %swap3A_126 = vector.load %arg14[%swap3A, %swap3A_125] : memref<1280x128xf32, #tpu.memory_space<vmem>>, vector<1280x128xf32>
    tpu.vector_store %arg14[%swap3A, %swap3A_125], %mul3A_103 {strides = array<i32>} : memref<1280x128xf32, #tpu.memory_space<vmem>>, vector<1280x128xf32>,
    %mul3A_127 = arith.mulf %concatenate3A, %dot_general3A_124 : vector<1280x16xf32>
    %get3A_128 = arith.constant 0 : index
    %get3A_129 = arith.constant 0 : index
    %get3A_130 = vector.load %arg12[%get3A_128, %get3A_129] : memref<1x16xf32, #tpu.memory_space<vmem>>, vector<1x16xf32>
    %add3A_131 = vector.broadcast %get3A_130 : vector<1x16xf32> to vector<1280x16xf32>
    %add3A_132 = arith.addf %mul3A_127, %add3A_131 : vector<1280x16xf32>
    %get3A_133 = arith.constant 0 : index
    %get3A_134 = arith.constant 0 : index
    %get3A_135 = vector.load %arg13[%get3A_133, %get3A_134] : memref<8x128xf32, #tpu.memory_space<vmem>>, vector<8x128xf32>
    %convert_element_type3A_136 = arith.truncf %concatenate3A_32 : vector<1280x8xf32> to vector<1280x8xbf16>
    %convert_element_type3A_137 = arith.truncf %get3A_135 : vector<8x128xf32> to vector<8x128xbf16>
    %dot_general3A_138 = arith.constant dense<0.000000e+00> : vector<1280x128xf32>
    %dot_general3A_139 = tpu.matmul %convert_element_type3A_136, %convert_element_type3A_137, %dot_general3A_138 {dimension_numbers = #tpu.dot_dimension_numbers<[1], [0], [0], [1], [0, 0, 1, 1], [], []>, transpose_lhs_hint = false} : vector<1280x8xbf16>, vector<8x128xbf16>, vector<1280x128xf32> -> vector<1280x128xf32>
    %concatenate3A_140 = tpu.concatenate %add3A_132, %add3A_132, %add3A_132, %add3A_132, %add3A_132, %add3A_132, %add3A_132, %add3A_132 in 1 : vector<1280x16xf32>, vector<1280x16xf32>, vector<1280x16xf32>, vector<1280x16xf32>, vector<1280x16xf32>, vector<1280x16xf32>, vector<1280x16xf32>, vector<1280x16xf32> -> vector<1280x128xf32>
    %mul3A_141 = arith.mulf %dot_general3A_139, %concatenate3A_140 : vector<1280x128xf32>
    %swap3A_142 = arith.constant 0 : index
    %swap3A_143 = arith.constant 0 : index
    %swap3A_144 = vector.load %arg15[%swap3A_142, %swap3A_143] : memref<1280x128xf32, #tpu.memory_space<vmem>>, vector<1280x128xf32>
    tpu.vector_store %arg15[%swap3A_142, %swap3A_143], %mul3A_141 {strides = array<i32>} : memref<1280x128xf32, #tpu.memory_space<vmem>>, vector<1280x128xf32>,
    return
  }
  func.func @transform_0(%arg0: i32) -> (i32, i32) {
    %c0_i32 = arith.constant 0 : i32
    %c0_i32_0 = arith.constant 0 : i32
    return %arg0, %c0_i32 : i32, i32
  }
  func.func @transform_1(%arg0: i32) -> (i32, i32) {
    %c0_i32 = arith.constant 0 : i32
    %c0_i32_0 = arith.constant 0 : i32
    return %arg0, %c0_i32 : i32, i32
  }
  func.func @transform_2(%arg0: i32) -> (i32, i32) {
    %c0_i32 = arith.constant 0 : i32
    %c0_i32_0 = arith.constant 0 : i32
    return %arg0, %c0_i32 : i32, i32
  }
  func.func @transform_3(%arg0: i32) -> (i32, i32) {
    %c0_i32 = arith.constant 0 : i32
    %c0_i32_0 = arith.constant 0 : i32
    %c0_i32_1 = arith.constant 0 : i32
    return %c0_i32, %c0_i32_0 : i32, i32
  }
  func.func @transform_4(%arg0: i32) -> (i32, i32) {
    %c0_i32 = arith.constant 0 : i32
    %c0_i32_0 = arith.constant 0 : i32
    %c0_i32_1 = arith.constant 0 : i32
    return %c0_i32, %c0_i32_0 : i32, i32
  }
  func.func @transform_5(%arg0: i32) -> (i32, i32) {
    %c0_i32 = arith.constant 0 : i32
    %c0_i32_0 = arith.constant 0 : i32
    %c0_i32_1 = arith.constant 0 : i32
    return %c0_i32, %c0_i32_0 : i32, i32
  }
  func.func @transform_6(%arg0: i32) -> (i32, i32) {
    %c0_i32 = arith.constant 0 : i32
    %c0_i32_0 = arith.constant 0 : i32
    %c0_i32_1 = arith.constant 0 : i32
    return %c0_i32, %c0_i32_0 : i32, i32
  }
  func.func @transform_7(%arg0: i32) -> (i32, i32) {
    %c0_i32 = arith.constant 0 : i32
    %c0_i32_0 = arith.constant 0 : i32
    %c0_i32_1 = arith.constant 0 : i32
    return %c0_i32, %c0_i32_0 : i32, i32
  }
  func.func @transform_8(%arg0: i32) -> (i32, i32) {
    %c0_i32 = arith.constant 0 : i32
    %c0_i32_0 = arith.constant 0 : i32
    %c0_i32_1 = arith.constant 0 : i32
    return %c0_i32, %c0_i32_0 : i32, i32
  }
  func.func @transform_9(%arg0: i32) -> (i32, i32) {
    %c0_i32 = arith.constant 0 : i32
    %c0_i32_0 = arith.constant 0 : i32
    %c0_i32_1 = arith.constant 0 : i32
    return %c0_i32, %c0_i32_0 : i32, i32
  }
  func.func @transform_10(%arg0: i32) -> (i32, i32) {
    %c0_i32 = arith.constant 0 : i32
    %c0_i32_0 = arith.constant 0 : i32
    %c0_i32_1 = arith.constant 0 : i32
    return %c0_i32, %c0_i32_0 : i32, i32
  }
  func.func @transform_11(%arg0: i32) -> (i32, i32) {
    %c0_i32 = arith.constant 0 : i32
    %c0_i32_0 = arith.constant 0 : i32
    %c0_i32_1 = arith.constant 0 : i32
    return %c0_i32, %c0_i32_0 : i32, i32
  }
  func.func @transform_12(%arg0: i32) -> (i32, i32) {
    %c0_i32 = arith.constant 0 : i32
    %c0_i32_0 = arith.constant 0 : i32
    %c0_i32_1 = arith.constant 0 : i32
    return %c0_i32, %c0_i32_0 : i32, i32
  }
  func.func @transform_13(%arg0: i32) -> (i32, i32) {
    %c0_i32 = arith.constant 0 : i32
    %c0_i32_0 = arith.constant 0 : i32
    return %arg0, %c0_i32 : i32, i32
  }
  func.func @transform_14(%arg0: i32) -> (i32, i32) {
    %c0_i32 = arith.constant 0 : i32
    %c0_i32_0 = arith.constant 0 : i32
    return %arg0, %c0_i32 : i32, i32
  }
}

module attributes {stable_mosaic.version = 14 : i64} {
  func.func @_node_body(%arg0: i32, %arg1: memref<1000x128xf32, #tpu.memory_space<vmem>>, %arg2: memref<1000x128xf32, #tpu.memory_space<vmem>>, %arg3: memref<1000x128xf32, #tpu.memory_space<vmem>>, %arg4: memref<1000x16xf32, #tpu.memory_space<vmem>>, %arg5: memref<1000x16xf32, #tpu.memory_space<vmem>>, %arg6: memref<1000x16xf32, #tpu.memory_space<vmem>>, %arg7: memref<128x512xf32, #tpu.memory_space<vmem>>, %arg8: memref<128x512xf32, #tpu.memory_space<vmem>>, %arg9: memref<1x512xf32, #tpu.memory_space<vmem>>, %arg10: memref<512x128xf32, #tpu.memory_space<vmem>>, %arg11: memref<1x128xf32, #tpu.memory_space<vmem>>, %arg12: memref<16x16xf32, #tpu.memory_space<vmem>>, %arg13: memref<1000x128xf32, #tpu.memory_space<vmem>>, %arg14: memref<1000x16xf32, #tpu.memory_space<vmem>>) attributes {dimension_semantics = [#tpu.dimension_semantics<arbitrary>], iteration_bounds = array<i64: 10>, scalar_prefetch = 0 : i64, scratch_operands = 0 : i64, tpu.core_type = #tpu.core_type<tc>, window_params = [{transform_indices = @transform_0, window_bounds = array<i64: 1000, 128>}, {transform_indices = @transform_1, window_bounds = array<i64: 1000, 128>}, {transform_indices = @transform_2, window_bounds = array<i64: 1000, 128>}, {transform_indices = @transform_3, window_bounds = array<i64: 1000, 16>}, {transform_indices = @transform_4, window_bounds = array<i64: 1000, 16>}, {transform_indices = @transform_5, window_bounds = array<i64: 1000, 16>}, {pipeline_mode = #tpu.pipeline_mode<synchronous>, transform_indices = @transform_6, window_bounds = array<i64: 128, 512>}, {pipeline_mode = #tpu.pipeline_mode<synchronous>, transform_indices = @transform_7, window_bounds = array<i64: 128, 512>}, {pipeline_mode = #tpu.pipeline_mode<synchronous>, transform_indices = @transform_8, window_bounds = array<i64: 1, 512>}, {pipeline_mode = #tpu.pipeline_mode<synchronous>, transform_indices = @transform_9, window_bounds = array<i64: 512, 128>}, {pipeline_mode = #tpu.pipeline_mode<synchronous>, transform_indices = @transform_10, window_bounds = array<i64: 1, 128>}, {pipeline_mode = #tpu.pipeline_mode<synchronous>, transform_indices = @transform_11, window_bounds = array<i64: 16, 16>}, {transform_indices = @transform_12, window_bounds = array<i64: 1000, 128>}, {transform_indices = @transform_13, window_bounds = array<i64: 1000, 16>}]} {
    %get3A = arith.constant 0 : index
    %get3A_0 = arith.constant 0 : index
    %get3A_1 = vector.load %arg2[%get3A, %get3A_0] : memref<1000x128xf32, #tpu.memory_space<vmem>>, vector<1000x128xf32>
    %get3A_2 = arith.constant 0 : index
    %get3A_3 = arith.constant 0 : index
    %get3A_4 = vector.load %arg3[%get3A_2, %get3A_3] : memref<1000x128xf32, #tpu.memory_space<vmem>>, vector<1000x128xf32>
    %add3A = arith.addf %get3A_1, %get3A_4 : vector<1000x128xf32>
    %get3A_5 = arith.constant 0 : index
    %get3A_6 = arith.constant 0 : index
    %get3A_7 = vector.load %arg1[%get3A_5, %get3A_6] : memref<1000x128xf32, #tpu.memory_space<vmem>>, vector<1000x128xf32>
    %get3A_8 = arith.constant 0 : index
    %get3A_9 = arith.constant 0 : index
    %get3A_10 = vector.load %arg7[%get3A_8, %get3A_9] : memref<128x512xf32, #tpu.memory_space<vmem>>, vector<128x512xf32>
    %convert_element_type3A = arith.truncf %get3A_7 : vector<1000x128xf32> to vector<1000x128xbf16>
    %convert_element_type3A_11 = arith.truncf %get3A_10 : vector<128x512xf32> to vector<128x512xbf16>
    %dot_general3A = arith.constant dense<0.000000e+00> : vector<1000x512xf32>
    %dot_general3A_12 = tpu.matmul %convert_element_type3A, %convert_element_type3A_11, %dot_general3A {dimension_numbers = #tpu.dot_dimension_numbers<[1], [0], [0], [1], [0, 0, 1, 1], [], []>, transpose_lhs_hint = false} : vector<1000x128xbf16>, vector<128x512xbf16>, vector<1000x512xf32> -> vector<1000x512xf32>
    %get3A_13 = arith.constant 0 : index
    %get3A_14 = arith.constant 0 : index
    %get3A_15 = vector.load %arg8[%get3A_13, %get3A_14] : memref<128x512xf32, #tpu.memory_space<vmem>>, vector<128x512xf32>
    %convert_element_type3A_16 = arith.truncf %add3A : vector<1000x128xf32> to vector<1000x128xbf16>
    %convert_element_type3A_17 = arith.truncf %get3A_15 : vector<128x512xf32> to vector<128x512xbf16>
    %dot_general3A_18 = arith.constant dense<0.000000e+00> : vector<1000x512xf32>
    %dot_general3A_19 = tpu.matmul %convert_element_type3A_16, %convert_element_type3A_17, %dot_general3A_18 {dimension_numbers = #tpu.dot_dimension_numbers<[1], [0], [0], [1], [0, 0, 1, 1], [], []>, transpose_lhs_hint = false} : vector<1000x128xbf16>, vector<128x512xbf16>, vector<1000x512xf32> -> vector<1000x512xf32>
    %add3A_20 = arith.addf %dot_general3A_12, %dot_general3A_19 : vector<1000x512xf32>
    %get3A_21 = arith.constant 0 : index
    %get3A_22 = arith.constant 0 : index
    %get3A_23 = vector.load %arg9[%get3A_21, %get3A_22] : memref<1x512xf32, #tpu.memory_space<vmem>>, vector<1x512xf32>
    %add3A_24 = vector.broadcast %get3A_23 : vector<1x512xf32> to vector<1000x512xf32>
    %add3A_25 = arith.addf %add3A_20, %add3A_24 : vector<1000x512xf32>
    %logistic3A = arith.negf %add3A_25 : vector<1000x512xf32>
    %logistic3A_26 = math.exp %logistic3A : vector<1000x512xf32>
    %logistic3A_27 = arith.constant 1.000000e+00 : f32
    %logistic3A_28 = vector.broadcast %logistic3A_27 : f32 to vector<1000x512xf32>
    %logistic3A_29 = arith.addf %logistic3A_28, %logistic3A_26 : vector<1000x512xf32>
    %logistic3A_30 = arith.divf %logistic3A_28, %logistic3A_29 : vector<1000x512xf32>
    %mul3A = arith.mulf %add3A_25, %logistic3A_30 : vector<1000x512xf32>
    %get3A_31 = arith.constant 0 : index
    %get3A_32 = arith.constant 0 : index
    %get3A_33 = vector.load %arg1[%get3A_31, %get3A_32] : memref<1000x128xf32, #tpu.memory_space<vmem>>, vector<1000x128xf32>
    %get3A_34 = arith.constant 0 : index
    %get3A_35 = arith.constant 0 : index
    %get3A_36 = vector.load %arg10[%get3A_34, %get3A_35] : memref<512x128xf32, #tpu.memory_space<vmem>>, vector<512x128xf32>
    %convert_element_type3A_37 = arith.truncf %mul3A : vector<1000x512xf32> to vector<1000x512xbf16>
    %convert_element_type3A_38 = arith.truncf %get3A_36 : vector<512x128xf32> to vector<512x128xbf16>
    %dot_general3A_39 = arith.constant dense<0.000000e+00> : vector<1000x128xf32>
    %dot_general3A_40 = tpu.matmul %convert_element_type3A_37, %convert_element_type3A_38, %dot_general3A_39 {dimension_numbers = #tpu.dot_dimension_numbers<[1], [0], [0], [1], [0, 0, 1, 1], [], []>, transpose_lhs_hint = false} : vector<1000x512xbf16>, vector<512x128xbf16>, vector<1000x128xf32> -> vector<1000x128xf32>
    %get3A_41 = arith.constant 0 : index
    %get3A_42 = arith.constant 0 : index
    %get3A_43 = vector.load %arg11[%get3A_41, %get3A_42] : memref<1x128xf32, #tpu.memory_space<vmem>>, vector<1x128xf32>
    %add3A_44 = vector.broadcast %get3A_43 : vector<1x128xf32> to vector<1000x128xf32>
    %add3A_45 = arith.addf %dot_general3A_40, %add3A_44 : vector<1000x128xf32>
    %logistic3A_46 = arith.negf %add3A_45 : vector<1000x128xf32>
    %logistic3A_47 = math.exp %logistic3A_46 : vector<1000x128xf32>
    %logistic3A_48 = arith.constant 1.000000e+00 : f32
    %logistic3A_49 = vector.broadcast %logistic3A_48 : f32 to vector<1000x128xf32>
    %logistic3A_50 = arith.addf %logistic3A_49, %logistic3A_47 : vector<1000x128xf32>
    %logistic3A_51 = arith.divf %logistic3A_49, %logistic3A_50 : vector<1000x128xf32>
    %mul3A_52 = arith.mulf %add3A_45, %logistic3A_51 : vector<1000x128xf32>
    %add3A_53 = arith.addf %get3A_33, %mul3A_52 : vector<1000x128xf32>
    %swap3A = arith.constant 0 : index
    %swap3A_54 = arith.constant 0 : index
    %swap3A_55 = vector.load %arg13[%swap3A, %swap3A_54] : memref<1000x128xf32, #tpu.memory_space<vmem>>, vector<1000x128xf32>
    tpu.vector_store %arg13[%swap3A, %swap3A_54], %add3A_53 {strides = array<i32>} : memref<1000x128xf32, #tpu.memory_space<vmem>>, vector<1000x128xf32>,
    %get3A_56 = arith.constant 0 : index
    %get3A_57 = arith.constant 0 : index
    %get3A_58 = vector.load %arg4[%get3A_56, %get3A_57] : memref<1000x16xf32, #tpu.memory_space<vmem>>, vector<1000x16xf32>
    %get3A_59 = arith.constant 0 : index
    %get3A_60 = arith.constant 0 : index
    %get3A_61 = vector.load %arg5[%get3A_59, %get3A_60] : memref<1000x16xf32, #tpu.memory_space<vmem>>, vector<1000x16xf32>
    %add3A_62 = arith.addf %get3A_58, %get3A_61 : vector<1000x16xf32>
    %get3A_63 = arith.constant 0 : index
    %get3A_64 = arith.constant 0 : index
    %get3A_65 = vector.load %arg12[%get3A_63, %get3A_64] : memref<16x16xf32, #tpu.memory_space<vmem>>, vector<16x16xf32>
    %dot_general3A_66 = arith.constant dense<0.000000e+00> : vector<1000x16xf32>
    %dot_general3A_67 = tpu.matmul %add3A_62, %get3A_65, %dot_general3A_66 {dimension_numbers = #tpu.dot_dimension_numbers<[1], [0], [0], [1], [0, 0, 1, 1], [], []>, transpose_lhs_hint = false} : vector<1000x16xf32>, vector<16x16xf32>, vector<1000x16xf32> -> vector<1000x16xf32>
    %max3A = arith.constant 1.000000e+00 : f32
    %max3A_68 = vector.broadcast %max3A : f32 to vector<1000x16xf32>
    %max3A_69 = arith.maximumf %dot_general3A_67, %max3A_68 : vector<1000x16xf32>
    %div3A = arith.divf %add3A_62, %max3A_69 : vector<1000x16xf32>
    %get3A_70 = arith.constant 0 : index
    %get3A_71 = arith.constant 0 : index
    %get3A_72 = vector.load %arg6[%get3A_70, %get3A_71] : memref<1000x16xf32, #tpu.memory_space<vmem>>, vector<1000x16xf32>
    %jit3A = arith.constant -1.000000e+01 : f32
    %jit3A_73 = arith.constant 1.000000e+01 : f32
    %max3A_74 = vector.broadcast %jit3A : f32 to vector<1000x16xf32>
    %max3A_75 = arith.maximumf %max3A_74, %div3A : vector<1000x16xf32>
    %min3A = vector.broadcast %jit3A_73 : f32 to vector<1000x16xf32>
    %min3A_76 = arith.minimumf %min3A, %max3A_75 : vector<1000x16xf32>
    %add3A_77 = arith.addf %get3A_72, %min3A_76 : vector<1000x16xf32>
    %swap3A_78 = arith.constant 0 : index
    %swap3A_79 = arith.constant 0 : index
    %swap3A_80 = vector.load %arg14[%swap3A_78, %swap3A_79] : memref<1000x16xf32, #tpu.memory_space<vmem>>, vector<1000x16xf32>
    tpu.vector_store %arg14[%swap3A_78, %swap3A_79], %add3A_77 {strides = array<i32>} : memref<1000x16xf32, #tpu.memory_space<vmem>>, vector<1000x16xf32>,
    return
  }
  func.func @transform_0(%arg0: i32) -> (i32, i32) {
    %c0_i32 = arith.constant 0 : i32
    %c0_i32_0 = arith.constant 0 : i32
    return %arg0, %c0_i32 : i32, i32
  }
  func.func @transform_1(%arg0: i32) -> (i32, i32) {
    %c0_i32 = arith.constant 0 : i32
    %c0_i32_0 = arith.constant 0 : i32
    return %arg0, %c0_i32 : i32, i32
  }
  func.func @transform_2(%arg0: i32) -> (i32, i32) {
    %c0_i32 = arith.constant 0 : i32
    %c0_i32_0 = arith.constant 0 : i32
    return %arg0, %c0_i32 : i32, i32
  }
  func.func @transform_3(%arg0: i32) -> (i32, i32) {
    %c0_i32 = arith.constant 0 : i32
    %c0_i32_0 = arith.constant 0 : i32
    return %arg0, %c0_i32 : i32, i32
  }
  func.func @transform_4(%arg0: i32) -> (i32, i32) {
    %c0_i32 = arith.constant 0 : i32
    %c0_i32_0 = arith.constant 0 : i32
    return %arg0, %c0_i32 : i32, i32
  }
  func.func @transform_5(%arg0: i32) -> (i32, i32) {
    %c0_i32 = arith.constant 0 : i32
    %c0_i32_0 = arith.constant 0 : i32
    return %arg0, %c0_i32 : i32, i32
  }
  func.func @transform_6(%arg0: i32) -> (i32, i32) {
    %c0_i32 = arith.constant 0 : i32
    %c0_i32_0 = arith.constant 0 : i32
    %c0_i32_1 = arith.constant 0 : i32
    return %c0_i32, %c0_i32_0 : i32, i32
  }
  func.func @transform_7(%arg0: i32) -> (i32, i32) {
    %c0_i32 = arith.constant 0 : i32
    %c0_i32_0 = arith.constant 0 : i32
    %c0_i32_1 = arith.constant 0 : i32
    return %c0_i32, %c0_i32_0 : i32, i32
  }
  func.func @transform_8(%arg0: i32) -> (i32, i32) {
    %c0_i32 = arith.constant 0 : i32
    %c0_i32_0 = arith.constant 0 : i32
    %c0_i32_1 = arith.constant 0 : i32
    return %c0_i32, %c0_i32_0 : i32, i32
  }
  func.func @transform_9(%arg0: i32) -> (i32, i32) {
    %c0_i32 = arith.constant 0 : i32
    %c0_i32_0 = arith.constant 0 : i32
    %c0_i32_1 = arith.constant 0 : i32
    return %c0_i32, %c0_i32_0 : i32, i32
  }
  func.func @transform_10(%arg0: i32) -> (i32, i32) {
    %c0_i32 = arith.constant 0 : i32
    %c0_i32_0 = arith.constant 0 : i32
    %c0_i32_1 = arith.constant 0 : i32
    return %c0_i32, %c0_i32_0 : i32, i32
  }
  func.func @transform_11(%arg0: i32) -> (i32, i32) {
    %c0_i32 = arith.constant 0 : i32
    %c0_i32_0 = arith.constant 0 : i32
    %c0_i32_1 = arith.constant 0 : i32
    return %c0_i32, %c0_i32_0 : i32, i32
  }
  func.func @transform_12(%arg0: i32) -> (i32, i32) {
    %c0_i32 = arith.constant 0 : i32
    %c0_i32_0 = arith.constant 0 : i32
    return %arg0, %c0_i32 : i32, i32
  }
  func.func @transform_13(%arg0: i32) -> (i32, i32) {
    %c0_i32 = arith.constant 0 : i32
    %c0_i32_0 = arith.constant 0 : i32
    return %arg0, %c0_i32 : i32, i32
  }
}

</mosaic_0001>

<sc_bundles>
// kernel: kernel.6.cloned.1.call-start
scs
__scs_entry_jumppad:
0x0: {  	(pc) =	sbr.rel $0x88, $3  }
0x1: {  	(tag) =	ssettag $0x0;
	lr =	simm.s32 $0x1  }
0x2: {  	[smem:$0x3F93] =	sst lr;
	_ =	strace $0xD0000000  }
0x3: {  	_ = 	snop  }
0x4: {  	_ = 	snop  }
0x5: {  	_ = 	snop  }
0x6: {  	_ = 	snop  }
0x7: {  	_ = 	snop  }
__scs_overlays_trampoline_lowered:
0x8: {  	[smem:$0x3FA2] =	sst s0  }
0x9: {  	[smem:$0x3FA3] =	sst s1  }
0xa: {  	[smem:$0x3FA4] =	sst s2  }
0xb: {  	[smem:$0x3FA5] =	sst s3  }
0xc: {  	[smem:$0x3FA6] =	sst s4  }
0xd: {  	[smem:$0x3FA7] =	sst s5  }
0xe: {  	[smem:$0x3FA8] =	sst s6  }
0xf: {  	[smem:$0x3FA9] =	sst s7  }
0x10: {  	[smem:$0x3FAA] =	sst s8  }
0x11: {  	[smem:$0x3FAB] =	sst s9;
	s0 =	simm.s32 @!p0 $0x0  }
0x12: {  	s1 =	sld [smem:$0x3F91];
	s0 =	simm.s32 @p0 $0x1  }
0x13: {  	[smem:$0x3FAC] =	sst s0;
	s0 =	simm.s32 @!p1 $0x0  }
0x14: {  	s2 =	sld [smem:$0x3F90];
	s0 =	simm.s32 @p1 $0x1  }
0x15: {  	[smem:$0x3FAD] =	sst s0;
	s0 =	simm.s32 @!p2 $0x0  }
0x16: {  	s3 =	sld [smem:$0x3FDB];
	s0 =	simm.s32 @p2 $0x1  }
0x17: {  	s4 =	simm.s32 $0x1BF5;
	[smem:$0x3FAF] =	sst s0  }
0x18: {  	s0 =	sld [smem:$0x3F92];
	_ =	swait.ge [sflag:s4], $0x0  }
0x19: {  	s7 =	sld [smem:$0x3F93]  }
0x1a: {  	s8 =	sadd.s32 $0xFFFFE003, lr  }
0x1b: {  	s9 =	sadd.s32 $0xFFFFFEF7, lr;
	s5 =	simm.s32 $0xFFFFFFFF;
	p2 =	slt.u32 s8, $0xFFFFF086  }
0x1c: {  	p1 =	slt.u32 s9, $0xF7A;
	s5 =	simm.s32 @!p2 $0x0  }
0x1d: {  	s5 =	simm.s32 @p1 $0x1;
	p0 =	seq.s32 s7, s2  }
0x1e: {  	s7 =	smul.u32 @!p0 $0xF7A, s2;
	p2 =	seq.s32 @!p0 s5, $0x0  }
0x1f: {  	s9 =	smul.u32 $0xF7A, s1;
	s8 =	simm.s32 @!p0 $0x1BF5;
	p2 =	por !p2, p0  }
0x20: {  	[sflag:s8] =	ssyncset.s32 @!p0 $0xFFFFF086;
	s6 =	sadd.s32 @!p0 s3, s7;
	s7 =	simm.s32 @!p0 $0x108  }
0x21: {  	s3 =	sadd.s32 s3, s9;
	s6 =	sadd.s32 @!p0 $0x88, s6;
	s7 =	simm.s32 @p2 $0x1082  }
0x22: {  	[simem:s7], [sflag:s8] =	dma.local @!p0 [hbm:s6], $0xF7A  }
0x23: {  	s9 =	sor.u32 $0xD0000000, s2;
	s6 =	simm.s32 $0x108;
	_ =	swait.ge @!p0 [sflag:s8], $0x0  }
0x24: {  	s3 =	sadd.s32 $0x88, s3;
	s6 =	simm.s32 @!p1 $0x1082;
	[sflag:s4] =	ssyncset.s32 $0xFFFFF086  }
0x25: {  	[simem:s6], [sflag:s4] =	dma.local [hbm:s3], $0xF7A  }
0x26: {  	[smem:$0x3F93] =	sst s1;
	(tag) =	ssettag s2;
	_ =	strace s9  }
0x27: {  	s1 =	sld [smem:$0x3FA3]  }
0x28: {  	s2 =	sld [smem:$0x3FA4]  }
0x29: {  	s4 =	sld [smem:$0x3FA6]  }
0x2a: {  	p0 =	seq.s32 s5, $0x0;
	s5 =	sld [smem:$0x3FA7]  }
0x2b: {  	s6 =	sld [smem:$0x3FA8]  }
0x2c: {  	s7 =	sld [smem:$0x3FA9]  }
0x2d: {  	s3 =	simm.s32 $0x108;
	s8 =	sld [smem:$0x3FAA]  }
0x2e: {  	s3 =	simm.s32 @!p0 $0x1082;
	s9 =	sld [smem:$0x3FAB]  }
0x2f: {  	lr =	sadd.s32 s0, s3;
	s0 =	sld [smem:$0x3FA2]  }
0x30: {  	s3 =	sld [smem:$0x3FA5]  }
0x31: {  	[smem:$0x3FAE] =	sst s10  }
0x32: {  	s10 =	sld [smem:$0x3FAC];
	_ =	sdelay $0x3  }
0x33: {  	p0 =	seq.s32 s10, $0x1;
	s10 =	sld [smem:$0x3FAE];
	_ =	sdelay $0x3  }
0x34: {  	[smem:$0x3FAE] =	sst s10  }
0x35: {  	s10 =	sld [smem:$0x3FAD];
	_ =	sdelay $0x3  }
0x36: {  	p1 =	seq.s32 s10, $0x1;
	s10 =	sld [smem:$0x3FAE];
	_ =	sdelay $0x3  }
0x37: {  	[smem:$0x3FAE] =	sst s10  }
0x38: {  	s10 =	sld [smem:$0x3FAF]  }
0x39: {  	_ = 	snop;
	(pc) =	sbr.ind lr, $3  }
0x3a: {  	_ = 	snop  }
0x3b: {  	_ = 	snop  }
0x3c: {  	p2 =	seq.s32 s10, $0x1;
	s10 =	sld [smem:$0x3FAE]  }
0x3d: {  	_ =	shalt  }
0x3e: {  	_ =	shalt  }
0x3f: {  	_ =	shalt  }
0x40: {  	_ =	shalt  }
0x41: {  	_ =	shalt  }
0x42: {  	_ =	shalt  }
0x43: {  	_ =	shalt  }
0x44: {  	_ =	shalt  }
0x45: {  	_ =	shalt  }
0x46: {  	_ =	shalt  }
0x47: {  	_ =	shalt  }
0x48: {  	_ =	shalt  }
0x49: {  	_ =	shalt  }
0x4a: {  	_ =	shalt  }
0x4b: {  	_ =	shalt  }
0x4c: {  	_ =	shalt  }
0x4d: {  	_ =	shalt  }
0x4e: {  	_ =	shalt  }
0x4f: {  	_ =	shalt  }
0x50: {  	_ =	shalt  }
0x51: {  	_ =	shalt  }
0x52: {  	_ =	shalt  }
0x53: {  	_ =	shalt  }
0x54: {  	_ =	shalt  }
0x55: {  	_ =	shalt  }
0x56: {  	_ =	shalt  }
0x57: {  	_ =	shalt  }
0x58: {  	_ =	shalt  }
0x59: {  	_ =	shalt  }
0x5a: {  	_ =	shalt  }
0x5b: {  	_ =	shalt  }
0x5c: {  	_ =	shalt  }
0x5d: {  	_ =	shalt  }
0x5e: {  	_ =	shalt  }
0x5f: {  	_ =	shalt  }
0x60: {  	_ =	shalt  }
0x61: {  	_ =	shalt  }
0x62: {  	_ =	shalt  }
0x63: {  	_ =	shalt  }
0x64: {  	_ =	shalt  }
0x65: {  	_ =	shalt  }
0x66: {  	_ =	shalt  }
0x67: {  	_ =	shalt  }
0x68: {  	_ =	shalt  }
0x69: {  	_ =	shalt  }
0x6a: {  	_ =	shalt  }
0x6b: {  	_ =	shalt  }
0x6c: {  	_ =	shalt  }
0x6d: {  	_ =	shalt  }
0x6e: {  	_ =	shalt  }
0x6f: {  	_ =	shalt  }
0x70: {  	_ =	shalt  }
0x71: {  	_ =	shalt  }
0x72: {  	_ =	shalt  }
0x73: {  	_ =	shalt  }
0x74: {  	_ =	shalt  }
0x75: {  	_ =	shalt  }
0x76: {  	_ =	shalt  }
0x77: {  	_ =	shalt  }
0x78: {  	_ =	shalt  }
0x79: {  	_ =	shalt  }
0x7a: {  	_ =	shalt  }
0x7b: {  	_ =	shalt  }
0x7c: {  	_ =	shalt  }
0x7d: {  	_ =	shalt  }
0x7e: {  	_ =	shalt  }
0x7f: {  	_ =	shalt  }
0x80: {  	_ =	shalt  }
0x81: {  	_ =	shalt  }
0x82: {  	_ =	shalt  }
0x83: {  	_ =	shalt  }
0x84: {  	_ =	shalt  }
0x85: {  	_ =	shalt  }
0x86: {  	_ =	shalt  }
0x87: {  	_ =	shalt  }
.Lfunc_end0:
.L_simem_size_0:
called_computation_lowered:
.L_overlay_start_0:
0x88: {  	s2 =	sld [smem:$0x3FD9]  }
0x89: {  	s3 =	sld [smem:$0x3FFE];
	_ =	sdelay $0x1  }
0x8a: {  	s1 =	srdreg.scid  }
0x8b: {  	s0 =	sand.u32 $0x1, s1  }
0x8c: {  	s14 =	sshll.u32 s0, $0xA;
	s2 =	sadd.s32 s3, s2  }
0x8d: {  	s2 =	sadd.s32 s2, s14  }
0x8e: {  	[smem:$0x3FBA] =	sst s2  }
0x8f: {  	_ = 	snop  }
0x90: {  	s2 =	sld [smem:$0x3FD0];
	_ =	sdelay $0x2  }
0x91: {  	s15 =	simm.s32 $0xA;
	s4 =	simm.s32 $0x10  }
0x92: {  	[smem:s4], [sflag:s15] =	dma.local [hbm:s2], $0x1  }
0x93: {  	_ =	swait.eq [sflag:s15], $0x1  }
0x94: {  	[sflag:s15] =	ssyncset.done $0x0  }
0x95: {  	[sflag:s15] =	ssyncadd.s32 $0xFFFFFFFF  }
0x96: {  	s16 =	sld [smem:$0x10];
	(tm) =	ssettm $0x1  }
0x97: {  	s17 =	sld [smem:$0x3FFB];
	_ =	sdelay $0x3  }
0x98: {  	_ =	strace s17  }
0x99: {  	s3 =	sld [smem:$0x3FFC];
	_ =	sdelay $0x3  }
0x9a: {  	_ =	strace s3  }
0x9b: {  	s3 =	sld [smem:$0x3FFD];
	_ =	sdelay $0x3  }
0x9c: {  	_ =	strace s3  }
0x9d: {  	_ =	strace $0x8FFFFFFF  }
0x9e: {  	s18 =	sld [smem:$0x3FDB];
	_ =	sdelay $0x1  }
0x9f: {  	s19 =	simm.s32 $_scs_section_size  }
0xa0: {  	s5 =	simm.s32 $_size__tile_overlayer_lowered;
	s6 =	simm.s32 $_tile_overlayer_lowered  }
0xa1: {  	s22 =	simm.s32 $0x1BFF;
	s21 =	sshll.u32 s6, $0x1;
	s3 =	sadd.s32 s19, s18  }
0xa2: {  	s7 =	simm.s32 $0x0;
	s20 =	sshll.u32 s5, $0x1;
	s5 =	sadd.s32 s21, s3  }
0xa3: {  	[timem:s7], [sflag:s22] =	dma.local [hbm:s5], s20  }
0xa4: {  	_ =	swait.ge [sflag:s22], s20  }
0xa5: {  	s4 =	ssub.s32 $0x0, s20;
	[sflag:s22] =	ssyncset.done $0x0  }
0xa6: {  	[sflag:s22] =	ssyncadd.s32 s4;
	_ =	sdelay $0x1  }
0xa7: {  	s23 =	simm.s32 $0x1B8B  }
0xa8: {  	_ =	swait.ge [sflag:s23], $0x1  }
0xa9: {  	[sflag:s23] =	ssyncset.done $0x0  }
0xaa: {  	s25 =	simm.s32 $0x1B8E;
	s24 =	sld [smem:$0x3FFE];
	[sflag:s23] =	ssyncadd.s32 $0xFFFFFFFF  }
0xab: {  	s26 =	simm.s32 $execute0_lowered;
	[smem:$0x3FD2] =	sst s25  }
0xac: {  	s5 =	sshll.u32 s26, $0x1;
	_ =	strace $0x80000046;
	[dreg:$0x1] =	wrdreg $0xFFFFFFFF  }
0xad: {  	s28 =	simm.s32 $_size_execute0_lowered;
	s3 =	sadd.s32 s3, s5;
	[dreg:$0x0] =	wrdreg $0x0  }
0xae: {  	s5 =	sshll.u32 s28, $0x1;
	[dreg:$0x2] =	wrdreg s3  }
0xaf: {  	[dreg:$0x3] =	wrdreg s5  }
0xb0: {  	[dreg:$0x4] =	wrdreg $0xC0  }
0xb1: {  	_ =	task [dreg:s7], $0x5FFFF  }
0xb2: {  	[dreg:$0x1] =	wrdreg $0xFFFFFFFF  }
0xb3: {  	[dreg:$0x0] =	wrdreg $0x60  }
0xb4: {  	[dreg:$0x2] =	wrdreg s16  }
0xb5: {  	[dreg:$0x3] =	wrdreg s24  }
0xb6: {  	[dreg:$0x4] =	wrdreg $0x9  }
0xb7: {  	_ =	task.clear_ibuf [dreg:s7], $0x5FFFF;
	_ =	strace $0x90000046  }
0xb8: {  	s29 =	simm.s32 $0x9;
	_ =	strace $0x80000048  }
0xb9: {  	_ =	swait.ge [sflag:s29], $0x1  }
0xba: {  	[sflag:s29] =	ssyncadd.s32 $0xFFFFFFFF  }
0xbb: {  	_ =	strace $0x90000048  }
0xbc: {  	_ =	sfence  }
0xbd: {  	s30 =	sld [smem:$0x0];
	_ =	sdelay $0x2  }
0xbe: {  	s31 =	sshll.u32 s1, $0xD;
	s1 =	sshrl.u32 s1, $0x2  }
0xbf: {  	s3 =	sand.u32 $0x4000, s31;
	s1 =	sadd.s32 s1, s30  }
0xc0: {  	s0 =	sor.u32 s3, s0;
	s1 =	sshll.u32 s1, $0x11  }
0xc1: {  	s0 =	sor.u32 s1, s0  }
0xc2: {  	s0 =	sadd.s32 $0x8F2B, s0  }
0xc3: {  	[sflag:s0] =	ssyncadd.remote.s32 $0x1  }
0xc4: {  	_ =	sfence.sel $0xFFFF  }
0xc5: {  	[dreg:$0x0] =	wrdreg $0xFFFFFFFF;
	(pc) =	sbr.abs _section_cstart, $3  }
0xc6: {  	[dreg:$0x1] =	wrdreg $0xFFFFFFFF  }
0xc7: {  	_ =	task.clear_ibuf [dreg:s7], $0x2FFFF;
	_ =	strace $0x9FFFFFFF  }
0xc8: {  	(tm) =	ssettm $0x7FFFFFFF  }
0xc9: {  	_ =	shalt  }
tec
execute0_lowered:
.L_overlay_start_1:
0x0: {  	(tag) =	ssettag $0x1  }
0x1: {  	s2 =	rddreg [dreg:$0x0]  }
0x2: {  	s4 =	rddreg [dreg:$0x1]  }
0x3: {  	s0 =	rddreg [dreg:$0x2]  }
0x4: {  	s5 =	srdreg.scid;
	s1 =	stileid.u32;
	s3 =	simm.s32 $0x0  }
0x5: {  	s11 =	simm.s32 $0x50;
	s12 =	simm.s32 $0x100;
	s6 =	smul.u32 $0x4E20, s1  }
0x6: {  	s13 =	simm.s32 $0x2900;
	s5 =	sand.u32 $0x1, s5;
	s8 =	smul.u32 $0x4E200, s1  }
0x7: {  	s14 =	simm.s32 $0x1;
	s15 =	simm.s32 $0x0;
	s7 =	smul.u32 $0x2710, s5  }
0x8: {  	[smem:$0x7FF] =	sst s3;
	s29 =	ssub.s32 $0x2, s5;
	s5 =	smul.u32 $0x27100, s5  }
0x9: {  	_ =	strace $0x80000047;
	s8 =	sadd.s32 s8, s4;
	s9 =	sshrl.u32 s29, $0x1  }
0xa: {  	s6 =	sadd.s32 s7, s6;
	s30 =	ssub.s32 s29, s9;
	s31 =	sadd.s32 s5, s8  }
0xb: {  	s9 =	simm.s32 $0x2;
	s6 =	sshrl.u32 s6, $0x3;
	s5 =	sadd.s32 $0x40800, s31  }
0xc: {  	s10 =	sadd.s32 s6, s4;
	s4 =	smax.u32 s30, $0x1;
	s6 =	sadd.s32 $0x522800, s31  }
0xd: {  	s7 =	sadd.s32 $0x5A00, s10;
	s8 =	sadd.s32 $0xF800, s10;
	s10 =	simm.s32 $0x80  }
.LBB2_1:
0xe: {  	s16 =	sadd.s32 $0x0, s8  }
0xf: {  	[tilespmem:s3], [sflag:$0x2] =	stream.linear.gather [hbm4b:s16+s3], $0x50, $0x38;
	[tilespmem:$0x5100] =	vst v63  }
0x10: {  	_ =	swait.ge [sflag:s9], $0x50  }
0x11: {  	[sflag:s9] =	ssyncset.done $0x0  }
0x12: {  	s31 =	sadd.s32 $0x0, s7;
	[sflag:s9] =	ssyncadd.s32 $0xFFFFFFB0  }
0x13: {  	[tilespmem:s10], [sflag:$0x2] =	stream.linear.gather [hbm4b:s31+s3], $0x50, $0x38;
	[tilespmem:$0x5100] =	vst v63  }
0x14: {  	_ =	swait.ge [sflag:s9], $0x50  }
0x15: {  	[sflag:s9] =	ssyncset.done $0x0  }
0x16: {  	[sflag:s9] =	ssyncadd.s32 $0xFFFFFFB0  }
0x17: {  	[tilespmem:s12], [sflag:$0x1] =	stream.indirect.gather [hbm4b:s2+s11], $0x80, s3, s11, $0xb8;
	[tilespmem:$0x5100] =	vst v63  }
0x18: {  	_ = 	snop  }
0x19: {  	[tilespmem:s13], [sflag:$0x1] =	stream.indirect.gather [hbm4b:s2+s11], $0x80, s10, s11, $0xb8;
	[tilespmem:$0x5100] =	vst v63  }
0x1a: {  	_ =	swait.ge [sflag:s14], $0x2800  }
0x1b: {  	[sflag:s14] =	ssyncset.done $0x0  }
0x1c: {  	[sflag:s14] =	ssyncadd.s32 $0xFFFFD800  }
0x1d: {  	_ =	swait.ge [sflag:s14], $0x2800  }
0x1e: {  	[sflag:s14] =	ssyncset.done $0x0  }
0x1f: {  	[sflag:s14] =	ssyncadd.s32 $0xFFFFD800  }
0x20: {  	[hbm4b:s5+s3] =	stream.linear.scatter [tilespmem:s12], [sflag:$0x2], $0x2800, $0x38;
	[tilespmem:$0x5100] =	vst v63  }
0x21: {  	_ =	swait.ge [sflag:s9], $0x2800  }
0x22: {  	[sflag:s9] =	ssyncset.done $0x0  }
0x23: {  	[sflag:s9] =	ssyncadd.s32 $0xFFFFD800  }
0x24: {  	[hbm4b:s6+s3] =	stream.linear.scatter [tilespmem:s13], [sflag:$0x2], $0x2800, $0x38;
	[tilespmem:$0x5100] =	vst v63  }
0x25: {  	s18 =	simm.s32 $0xA;
	s19 =	simm.s32 $0x14;
	_ =	swait.ge [sflag:s9], $0x2800  }
0x26: {  	s17 =	sadd.s32 $0x500, s5;
	s16 =	sadd.s32 $0x500, s6;
	[sflag:s9] =	ssyncset.done $0x0  }
.LBB2_2:
0x27: {  	s20 =	sadd.s32 s18, s8  }
0x28: {  	[sflag:s9] =	ssyncadd.s32 $0xFFFFD800;
	s21 =	smov.u32 s19;
	s22 =	sadd.s32 $0xA, s19  }
0x29: {  	[tilespmem:s3], [sflag:$0x2] =	stream.linear.gather [hbm4b:s20+s3], $0x50, $0x38;
	[tilespmem:$0x5100] =	vst v63  }
0x2a: {  	p0 =	sne.s32 s19, $0x4D8;
	_ =	swait.ge [sflag:s9], $0x50  }
0x2b: {  	[sflag:s9] =	ssyncset.done $0x0  }
0x2c: {  	s19 =	sadd.s32 s18, s7;
	s18 =	smov.u32 s21;
	[sflag:s9] =	ssyncadd.s32 $0xFFFFFFB0  }
0x2d: {  	[tilespmem:s10], [sflag:$0x2] =	stream.linear.gather [hbm4b:s19+s3], $0x50, $0x38;
	[tilespmem:$0x5100] =	vst v63  }
0x2e: {  	_ =	swait.ge [sflag:s9], $0x50  }
0x2f: {  	[sflag:s9] =	ssyncset.done $0x0  }
0x30: {  	[sflag:s9] =	ssyncadd.s32 $0xFFFFFFB0  }
0x31: {  	[tilespmem:s12], [sflag:$0x1] =	stream.indirect.gather [hbm4b:s2+s11], $0x80, s3, s11, $0xb8;
	[tilespmem:$0x5100] =	vst v63  }
0x32: {  	_ = 	snop  }
0x33: {  	[tilespmem:s13], [sflag:$0x1] =	stream.indirect.gather [hbm4b:s2+s11], $0x80, s10, s11, $0xb8;
	[tilespmem:$0x5100] =	vst v63  }
0x34: {  	_ =	swait.ge [sflag:s14], $0x2800  }
0x35: {  	[sflag:s14] =	ssyncset.done $0x0  }
0x36: {  	[sflag:s14] =	ssyncadd.s32 $0xFFFFD800  }
0x37: {  	_ =	swait.ge [sflag:s14], $0x2800  }
0x38: {  	[sflag:s14] =	ssyncset.done $0x0  }
0x39: {  	[sflag:s14] =	ssyncadd.s32 $0xFFFFD800  }
0x3a: {  	[hbm4b:s17+s3] =	stream.linear.scatter [tilespmem:s12], [sflag:$0x2], $0x2800, $0x38;
	[tilespmem:$0x5100] =	vst v63  }
0x3b: {  	_ =	swait.ge [sflag:s9], $0x2800  }
.Ltmp0:
0x3c: {  	[sflag:s9] =	ssyncset.done $0x0;
	(pc) =	sbr.rel @p0 .LBB2_2-.Ltmp0, $4  }
0x3d: {  	[sflag:s9] =	ssyncadd.s32 $0xFFFFD800  }
0x3e: {  	[hbm4b:s16+s3] =	stream.linear.scatter [tilespmem:s13], [sflag:$0x2], $0x2800, $0x38;
	[tilespmem:$0x5100] =	vst v63  }
0x3f: {  	s19 =	smov.u32 s22;
	_ =	swait.ge [sflag:s9], $0x2800  }
0x40: {  	s17 =	sadd.s32 $0x500, s17;
	s16 =	sadd.s32 $0x500, s16;
	[sflag:s9] =	ssyncset.done $0x0  }
0x41: {  	s19 =	sadd.s32 s18, s8;
	[sflag:s9] =	ssyncadd.s32 $0xFFFFD800  }
0x42: {  	[tilespmem:s3], [sflag:$0x2] =	stream.linear.gather [hbm4b:s19+s3], $0x50, $0x38;
	[tilespmem:$0x5100] =	vst v63  }
0x43: {  	_ =	swait.ge [sflag:s9], $0x50  }
0x44: {  	[sflag:s9] =	ssyncset.done $0x0  }
0x45: {  	s31 =	sadd.s32 s18, s7;
	[sflag:s9] =	ssyncadd.s32 $0xFFFFFFB0  }
0x46: {  	[tilespmem:s10], [sflag:$0x2] =	stream.linear.gather [hbm4b:s31+s3], $0x50, $0x38;
	[tilespmem:$0x5100] =	vst v63  }
0x47: {  	_ =	swait.ge [sflag:s9], $0x50  }
0x48: {  	[sflag:s9] =	ssyncset.done $0x0  }
0x49: {  	[sflag:s9] =	ssyncadd.s32 $0xFFFFFFB0  }
0x4a: {  	[tilespmem:s12], [sflag:$0x1] =	stream.indirect.gather [hbm4b:s2+s11], $0x80, s3, s11, $0xb8;
	[tilespmem:$0x5100] =	vst v63  }
0x4b: {  	_ = 	snop  }
0x4c: {  	[tilespmem:s13], [sflag:$0x1] =	stream.indirect.gather [hbm4b:s2+s11], $0x80, s10, s11, $0xb8;
	[tilespmem:$0x5100] =	vst v63  }
0x4d: {  	_ =	swait.ge [sflag:s14], $0x2800  }
0x4e: {  	[sflag:s14] =	ssyncset.done $0x0  }
0x4f: {  	[sflag:s14] =	ssyncadd.s32 $0xFFFFD800  }
0x50: {  	_ =	swait.ge [sflag:s14], $0x2800  }
0x51: {  	[sflag:s14] =	ssyncset.done $0x0  }
0x52: {  	[sflag:s14] =	ssyncadd.s32 $0xFFFFD800  }
0x53: {  	[hbm4b:s17+s3] =	stream.linear.scatter [tilespmem:s12], [sflag:$0x2], $0x2800, $0x38;
	[tilespmem:$0x5100] =	vst v63  }
0x54: {  	s15 =	sadd.s32 $0x1, s15;
	_ =	swait.ge [sflag:s9], $0x2800  }
0x55: {  	p0 =	sne.s32 s15, s4;
	[sflag:s9] =	ssyncset.done $0x0  }
.Ltmp1:
0x56: {  	[sflag:s9] =	ssyncadd.s32 $0xFFFFD800;
	(pc) =	sbr.rel @p0 .LBB2_1-.Ltmp1, $4  }
0x57: {  	[hbm4b:s16+s3] =	stream.linear.scatter [tilespmem:s13], [sflag:$0x2], $0x2800, $0x38;
	[tilespmem:$0x5100] =	vst v63  }
0x58: {  	_ =	swait.ge [sflag:s9], $0x2800  }
0x59: {  	[sflag:s9] =	ssyncset.done $0x0  }
0x5a: {  	[sflag:s9] =	ssyncadd.s32 $0xFFFFD800  }
0x5b: {  	_ =	sfence.sel $0x180000  }
0x5c: {  	[bflag:$0x0] =	sbarrier.arrive $0xFFFF  }
0x5d: {  	p0 =	sne.s32 s1, $0x0;
	_ =	strace $0x90000047  }
0x5e: {  	s0 =	sadd.s32 @!p0 $0x100000, s0;
	[bflag:$0x2] =	sbarrier.arrive $0xFFFF  }
0x5f: {  	[sflag:s0] =	ssyncadd.tile.s32 @!p0 $0x1;
	_ =	shalt  }
.Lfunc_end2:
_tile_overlayer_lowered:
.L_overlay_start_2:
0x60: {  	(tag) =	ssettag $0x2  }
0x61: {  	s0 =	rddreg [dreg:$0x0];
	s2 =	stileid.u32  }
0x62: {  	s1 =	rddreg [dreg:$0x1];
	p0 =	sne.s32 s2, $0x0  }
0x63: {  	s3 =	rddreg [dreg:$0x2];
	[bflag:$0x3] =	sbarrier.arrive $0xFFFF;
	s2 =	simm.s32 @!p0 $0x1C02  }
0x64: {  	[timem:s3], [sflag:s2] =	dma.local @!p0 [hbm:s0], s1  }
0x65: {  	s0 =	simm.s32 @!p0 $0x2  }
0x66: {  	_ =	swait.ge @!p0 [sflag:s0], s1  }
0x67: {  	s1 =	ssub.s32 @!p0 $0x0, s1;
	[sflag:s0] =	ssyncset.done @!p0 $0x0  }
0x68: {  	[sflag:s0] =	ssyncadd.s32 @!p0 s1  }
0x69: {  	[bflag:$0x3] =	sbarrier.arrive $0xFFFF  }
0x6a: {  	_ =	shalt  }

// kernel: kernel.9.cloned.1.call-start
scs
__scs_entry_jumppad:
0x0: {  	(pc) =	sbr.rel $0x88, $3  }
0x1: {  	(tag) =	ssettag $0x0;
	lr =	simm.s32 $0x1  }
0x2: {  	[smem:$0x3F93] =	sst lr;
	_ =	strace $0xD0000000  }
0x3: {  	_ = 	snop  }
0x4: {  	_ = 	snop  }
0x5: {  	_ = 	snop  }
0x6: {  	_ = 	snop  }
0x7: {  	_ = 	snop  }
__scs_overlays_trampoline_lowered:
0x8: {  	[smem:$0x3FA2] =	sst s0  }
0x9: {  	[smem:$0x3FA3] =	sst s1  }
0xa: {  	[smem:$0x3FA4] =	sst s2  }
0xb: {  	[smem:$0x3FA5] =	sst s3  }
0xc: {  	[smem:$0x3FA6] =	sst s4  }
0xd: {  	[smem:$0x3FA7] =	sst s5  }
0xe: {  	[smem:$0x3FA8] =	sst s6  }
0xf: {  	[smem:$0x3FA9] =	sst s7  }
0x10: {  	[smem:$0x3FAA] =	sst s8  }
0x11: {  	[smem:$0x3FAB] =	sst s9;
	s0 =	simm.s32 @!p0 $0x0  }
0x12: {  	s1 =	sld [smem:$0x3F91];
	s0 =	simm.s32 @p0 $0x1  }
0x13: {  	[smem:$0x3FAC] =	sst s0;
	s0 =	simm.s32 @!p1 $0x0  }
0x14: {  	s2 =	sld [smem:$0x3F90];
	s0 =	simm.s32 @p1 $0x1  }
0x15: {  	[smem:$0x3FAD] =	sst s0;
	s0 =	simm.s32 @!p2 $0x0  }
0x16: {  	s3 =	sld [smem:$0x3FDB];
	s0 =	simm.s32 @p2 $0x1  }
0x17: {  	s4 =	simm.s32 $0x1BF5;
	[smem:$0x3FAF] =	sst s0  }
0x18: {  	s0 =	sld [smem:$0x3F92];
	_ =	swait.ge [sflag:s4], $0x0  }
0x19: {  	s7 =	sld [smem:$0x3F93]  }
0x1a: {  	s8 =	sadd.s32 $0xFFFFE003, lr  }
0x1b: {  	s9 =	sadd.s32 $0xFFFFFEF7, lr;
	s5 =	simm.s32 $0xFFFFFFFF;
	p2 =	slt.u32 s8, $0xFFFFF086  }
0x1c: {  	p1 =	slt.u32 s9, $0xF7A;
	s5 =	simm.s32 @!p2 $0x0  }
0x1d: {  	s5 =	simm.s32 @p1 $0x1;
	p0 =	seq.s32 s7, s2  }
0x1e: {  	s7 =	smul.u32 @!p0 $0xF7A, s2;
	p2 =	seq.s32 @!p0 s5, $0x0  }
0x1f: {  	s9 =	smul.u32 $0xF7A, s1;
	s8 =	simm.s32 @!p0 $0x1BF5;
	p2 =	por !p2, p0  }
0x20: {  	[sflag:s8] =	ssyncset.s32 @!p0 $0xFFFFF086;
	s6 =	sadd.s32 @!p0 s3, s7;
	s7 =	simm.s32 @!p0 $0x108  }
0x21: {  	s3 =	sadd.s32 s3, s9;
	s6 =	sadd.s32 @!p0 $0x88, s6;
	s7 =	simm.s32 @p2 $0x1082  }
0x22: {  	[simem:s7], [sflag:s8] =	dma.local @!p0 [hbm:s6], $0xF7A  }
0x23: {  	s9 =	sor.u32 $0xD0000000, s2;
	s6 =	simm.s32 $0x108;
	_ =	swait.ge @!p0 [sflag:s8], $0x0  }
0x24: {  	s3 =	sadd.s32 $0x88, s3;
	s6 =	simm.s32 @!p1 $0x1082;
	[sflag:s4] =	ssyncset.s32 $0xFFFFF086  }
0x25: {  	[simem:s6], [sflag:s4] =	dma.local [hbm:s3], $0xF7A  }
0x26: {  	[smem:$0x3F93] =	sst s1;
	(tag) =	ssettag s2;
	_ =	strace s9  }
0x27: {  	s1 =	sld [smem:$0x3FA3]  }
0x28: {  	s2 =	sld [smem:$0x3FA4]  }
0x29: {  	s4 =	sld [smem:$0x3FA6]  }
0x2a: {  	p0 =	seq.s32 s5, $0x0;
	s5 =	sld [smem:$0x3FA7]  }
0x2b: {  	s6 =	sld [smem:$0x3FA8]  }
0x2c: {  	s7 =	sld [smem:$0x3FA9]  }
0x2d: {  	s3 =	simm.s32 $0x108;
	s8 =	sld [smem:$0x3FAA]  }
0x2e: {  	s3 =	simm.s32 @!p0 $0x1082;
	s9 =	sld [smem:$0x3FAB]  }
0x2f: {  	lr =	sadd.s32 s0, s3;
	s0 =	sld [smem:$0x3FA2]  }
0x30: {  	s3 =	sld [smem:$0x3FA5]  }
0x31: {  	[smem:$0x3FAE] =	sst s10  }
0x32: {  	s10 =	sld [smem:$0x3FAC];
	_ =	sdelay $0x3  }
0x33: {  	p0 =	seq.s32 s10, $0x1;
	s10 =	sld [smem:$0x3FAE];
	_ =	sdelay $0x3  }
0x34: {  	[smem:$0x3FAE] =	sst s10  }
0x35: {  	s10 =	sld [smem:$0x3FAD];
	_ =	sdelay $0x3  }
0x36: {  	p1 =	seq.s32 s10, $0x1;
	s10 =	sld [smem:$0x3FAE];
	_ =	sdelay $0x3  }
0x37: {  	[smem:$0x3FAE] =	sst s10  }
0x38: {  	s10 =	sld [smem:$0x3FAF]  }
0x39: {  	_ = 	snop;
	(pc) =	sbr.ind lr, $3  }
0x3a: {  	_ = 	snop  }
0x3b: {  	_ = 	snop  }
0x3c: {  	p2 =	seq.s32 s10, $0x1;
	s10 =	sld [smem:$0x3FAE]  }
0x3d: {  	_ =	shalt  }
0x3e: {  	_ =	shalt  }
0x3f: {  	_ =	shalt  }
0x40: {  	_ =	shalt  }
0x41: {  	_ =	shalt  }
0x42: {  	_ =	shalt  }
0x43: {  	_ =	shalt  }
0x44: {  	_ =	shalt  }
0x45: {  	_ =	shalt  }
0x46: {  	_ =	shalt  }
0x47: {  	_ =	shalt  }
0x48: {  	_ =	shalt  }
0x49: {  	_ =	shalt  }
0x4a: {  	_ =	shalt  }
0x4b: {  	_ =	shalt  }
0x4c: {  	_ =	shalt  }
0x4d: {  	_ =	shalt  }
0x4e: {  	_ =	shalt  }
0x4f: {  	_ =	shalt  }
0x50: {  	_ =	shalt  }
0x51: {  	_ =	shalt  }
0x52: {  	_ =	shalt  }
0x53: {  	_ =	shalt  }
0x54: {  	_ =	shalt  }
0x55: {  	_ =	shalt  }
0x56: {  	_ =	shalt  }
0x57: {  	_ =	shalt  }
0x58: {  	_ =	shalt  }
0x59: {  	_ =	shalt  }
0x5a: {  	_ =	shalt  }
0x5b: {  	_ =	shalt  }
0x5c: {  	_ =	shalt  }
0x5d: {  	_ =	shalt  }
0x5e: {  	_ =	shalt  }
0x5f: {  	_ =	shalt  }
0x60: {  	_ =	shalt  }
0x61: {  	_ =	shalt  }
0x62: {  	_ =	shalt  }
0x63: {  	_ =	shalt  }
0x64: {  	_ =	shalt  }
0x65: {  	_ =	shalt  }
0x66: {  	_ =	shalt  }
0x67: {  	_ =	shalt  }
0x68: {  	_ =	shalt  }
0x69: {  	_ =	shalt  }
0x6a: {  	_ =	shalt  }
0x6b: {  	_ =	shalt  }
0x6c: {  	_ =	shalt  }
0x6d: {  	_ =	shalt  }
0x6e: {  	_ =	shalt  }
0x6f: {  	_ =	shalt  }
0x70: {  	_ =	shalt  }
0x71: {  	_ =	shalt  }
0x72: {  	_ =	shalt  }
0x73: {  	_ =	shalt  }
0x74: {  	_ =	shalt  }
0x75: {  	_ =	shalt  }
0x76: {  	_ =	shalt  }
0x77: {  	_ =	shalt  }
0x78: {  	_ =	shalt  }
0x79: {  	_ =	shalt  }
0x7a: {  	_ =	shalt  }
0x7b: {  	_ =	shalt  }
0x7c: {  	_ =	shalt  }
0x7d: {  	_ =	shalt  }
0x7e: {  	_ =	shalt  }
0x7f: {  	_ =	shalt  }
0x80: {  	_ =	shalt  }
0x81: {  	_ =	shalt  }
0x82: {  	_ =	shalt  }
0x83: {  	_ =	shalt  }
0x84: {  	_ =	shalt  }
0x85: {  	_ =	shalt  }
0x86: {  	_ =	shalt  }
0x87: {  	_ =	shalt  }
.Lfunc_end0:
.L_simem_size_0:
called_computation.1_lowered:
.L_overlay_start_0:
0x88: {  	s2 =	sld [smem:$0x3FD9]  }
0x89: {  	s3 =	sld [smem:$0x3FFE];
	_ =	sdelay $0x1  }
0x8a: {  	s1 =	srdreg.scid  }
0x8b: {  	s0 =	sand.u32 $0x1, s1  }
0x8c: {  	s14 =	sshll.u32 s0, $0xA;
	s2 =	sadd.s32 s3, s2  }
0x8d: {  	s2 =	sadd.s32 s2, s14  }
0x8e: {  	[smem:$0x3FBA] =	sst s2  }
0x8f: {  	_ = 	snop  }
0x90: {  	s2 =	sld [smem:$0x3FD0];
	_ =	sdelay $0x2  }
0x91: {  	s15 =	simm.s32 $0xA;
	s4 =	simm.s32 $0x10  }
0x92: {  	[smem:s4], [sflag:s15] =	dma.local [hbm:s2], $0x1  }
0x93: {  	_ =	swait.eq [sflag:s15], $0x1  }
0x94: {  	[sflag:s15] =	ssyncset.done $0x0  }
0x95: {  	[sflag:s15] =	ssyncadd.s32 $0xFFFFFFFF  }
0x96: {  	s16 =	sld [smem:$0x10];
	(tm) =	ssettm $0x1  }
0x97: {  	s17 =	sld [smem:$0x3FFB];
	_ =	sdelay $0x3  }
0x98: {  	_ =	strace s17  }
0x99: {  	s3 =	sld [smem:$0x3FFC];
	_ =	sdelay $0x3  }
0x9a: {  	_ =	strace s3  }
0x9b: {  	s3 =	sld [smem:$0x3FFD];
	_ =	sdelay $0x3  }
0x9c: {  	_ =	strace s3  }
0x9d: {  	_ =	strace $0x8FFFFFFF  }
0x9e: {  	s18 =	sld [smem:$0x3FDB];
	_ =	sdelay $0x1  }
0x9f: {  	s19 =	simm.s32 $_scs_section_size  }
0xa0: {  	s5 =	simm.s32 $_size__tile_overlayer_lowered;
	s6 =	simm.s32 $_tile_overlayer_lowered  }
0xa1: {  	s22 =	simm.s32 $0x1BFF;
	s21 =	sshll.u32 s6, $0x1;
	s3 =	sadd.s32 s19, s18  }
0xa2: {  	s7 =	simm.s32 $0x0;
	s20 =	sshll.u32 s5, $0x1;
	s5 =	sadd.s32 s21, s3  }
0xa3: {  	[timem:s7], [sflag:s22] =	dma.local [hbm:s5], s20  }
0xa4: {  	_ =	swait.ge [sflag:s22], s20  }
0xa5: {  	s4 =	ssub.s32 $0x0, s20;
	[sflag:s22] =	ssyncset.done $0x0  }
0xa6: {  	[sflag:s22] =	ssyncadd.s32 s4;
	_ =	sdelay $0x1  }
0xa7: {  	s23 =	simm.s32 $0x1B8B  }
0xa8: {  	_ =	swait.ge [sflag:s23], $0x1  }
0xa9: {  	[sflag:s23] =	ssyncset.done $0x0  }
0xaa: {  	s25 =	simm.s32 $0x1B8E;
	s24 =	sld [smem:$0x3FFE];
	[sflag:s23] =	ssyncadd.s32 $0xFFFFFFFF  }
0xab: {  	s26 =	simm.s32 $execute0_lowered;
	[smem:$0x3FD2] =	sst s25  }
0xac: {  	s5 =	sshll.u32 s26, $0x1;
	_ =	strace $0x80000049;
	[dreg:$0x1] =	wrdreg $0xFFFFFFFF  }
0xad: {  	s28 =	simm.s32 $_size_execute0_lowered;
	s3 =	sadd.s32 s3, s5;
	[dreg:$0x0] =	wrdreg $0x0  }
0xae: {  	s5 =	sshll.u32 s28, $0x1;
	[dreg:$0x2] =	wrdreg s3  }
0xaf: {  	[dreg:$0x3] =	wrdreg s5  }
0xb0: {  	[dreg:$0x4] =	wrdreg $0xC0  }
0xb1: {  	_ =	task [dreg:s7], $0x5FFFF  }
0xb2: {  	[dreg:$0x1] =	wrdreg $0xFFFFFFFF  }
0xb3: {  	[dreg:$0x0] =	wrdreg $0x60  }
0xb4: {  	[dreg:$0x2] =	wrdreg s24  }
0xb5: {  	[dreg:$0x3] =	wrdreg s16  }
0xb6: {  	[dreg:$0x4] =	wrdreg $0x0  }
0xb7: {  	[dreg:$0x5] =	wrdreg $0x140000  }
0xb8: {  	[dreg:$0x6] =	wrdreg $0x9  }
0xb9: {  	_ =	task.clear_ibuf [dreg:s7], $0x7FFFF;
	_ =	strace $0x90000049  }
0xba: {  	s29 =	simm.s32 $0x9;
	_ =	strace $0x8000004B  }
0xbb: {  	_ =	swait.ge [sflag:s29], $0x1  }
0xbc: {  	[sflag:s29] =	ssyncadd.s32 $0xFFFFFFFF  }
0xbd: {  	_ =	strace $0x9000004B  }
0xbe: {  	_ =	sfence  }
0xbf: {  	s30 =	sld [smem:$0x0];
	_ =	sdelay $0x2  }
0xc0: {  	s31 =	sshll.u32 s1, $0xD;
	s1 =	sshrl.u32 s1, $0x2  }
0xc1: {  	s3 =	sand.u32 $0x4000, s31;
	s1 =	sadd.s32 s1, s30  }
0xc2: {  	s0 =	sor.u32 s3, s0;
	s1 =	sshll.u32 s1, $0x11  }
0xc3: {  	s0 =	sor.u32 s1, s0  }
0xc4: {  	s0 =	sadd.s32 $0x8F2B, s0  }
0xc5: {  	[sflag:s0] =	ssyncadd.remote.s32 $0x1  }
0xc6: {  	_ =	sfence.sel $0xFFFF  }
0xc7: {  	[dreg:$0x0] =	wrdreg $0xFFFFFFFF;
	(pc) =	sbr.abs _section_cstart, $3  }
0xc8: {  	[dreg:$0x1] =	wrdreg $0xFFFFFFFF  }
0xc9: {  	_ =	task.clear_ibuf [dreg:s7], $0x2FFFF;
	_ =	strace $0x9FFFFFFF  }
0xca: {  	(tm) =	ssettm $0x7FFFFFFF  }
0xcb: {  	_ =	shalt  }
tec
execute0_lowered:
.L_overlay_start_1:
0x0: {  	(tag) =	ssettag $0x1  }
0x1: {  	s22 =	stileid.u32  }
0x2: {  	s2 =	smul.u32 $0x4E20, s22  }
0x3: {  	s5 =	smul.u32 $0x4E200, s22  }
0x4: {  	s0 =	srdreg.scid;
	s21 =	smul.u32 $0x500, s22  }
0x5: {  	s3 =	rddreg [dreg:$0x0];
	s0 =	sand.u32 $0x1, s0;
	s12 =	smul.u32 $0x2800, s22  }
0x6: {  	s6 =	rddreg [dreg:$0x1];
	s1 =	simm.s32 $0x0;
	s4 =	smul.u32 $0x2710, s0  }
0x7: {  	[smem:$0x7FF] =	sst s1;
	s23 =	sshll.u32 s22, $0x3;
	s8 =	smul.u32 $0x28000, s0  }
0x8: {  	s30 =	sshllo.u32 s22, $0x3;
	s10 =	smul.u32 $0x5000, s0;
	s11 =	ssub.s32 $0x2, s0  }
0x9: {  	s13 =	sor.u32 $0x1, s23;
	s16 =	sor.u32 $0x2, s23;
	s17 =	sor.u32 $0x3, s23  }
0xa: {  	s19 =	sor.u32 $0x4, s23;
	s28 =	sor.u32 $0x5, s23;
	s7 =	sadd.s32 s5, s3  }
0xb: {  	s9 =	sadd.s32 s21, s3;
	s14 =	sshrl.u32 s11, $0x1;
	s15 =	smul.u32 $0x500, s13  }
0xc: {  	s18 =	smul.u32 $0x500, s17;
	s2 =	sadd.s32 s4, s2;
	s11 =	ssub.s32 s11, s14  }
0xd: {  	s14 =	smul.u32 $0x500, s16;
	s4 =	sadd.s32 s21, s10;
	s2 =	sshrl.u32 s2, $0x3  }
0xe: {  	s4 =	sadd.s32 s6, s4;
	s5 =	sadd.s32 s2, s3;
	s2 =	sadd.s32 $0x40800, s3  }
0xf: {  	s10 =	smul.u32 $0x500, s19;
	[dreg:$0x5] =	wrdreg s4;
	s24 =	sadd.s32 s2, s12  }
0x10: {  	s6 =	sor.u32 $0x6, s23;
	s20 =	sadd.s32 s2, s15;
	[dreg:$0x6] =	wrdreg s24  }
0x11: {  	s3 =	sadd.s32 s8, s3;
	s25 =	sadd.s32 s2, s14;
	[dreg:$0x7] =	wrdreg s20  }
0x12: {  	s4 =	smul.u32 $0x500, s28;
	s26 =	sadd.s32 s2, s18;
	[dreg:$0x8] =	wrdreg s25  }
0x13: {  	s8 =	smul.u32 $0x500, s6;
	s23 =	sadd.s32 s2, s10;
	[dreg:$0x9] =	wrdreg s26  }
0x14: {  	s21 =	smul.u32 $0x500, s30;
	[dreg:$0xa] =	wrdreg s23;
	s24 =	sadd.s32 s2, s4  }
0x15: {  	s0 =	smul.u32 $0x27100, s0;
	s25 =	sadd.s32 s2, s8;
	[dreg:$0xb] =	wrdreg s24  }
0x16: {  	s3 =	sadd.s32 $0x68800, s3;
	s2 =	sadd.s32 s2, s21;
	[dreg:$0xc] =	wrdreg s25  }
0x17: {  	s26 =	sadd.s32 s3, s12;
	s12 =	sadd.s32 s3, s15;
	[dreg:$0xd] =	wrdreg s2  }
0x18: {  	s15 =	sadd.s32 s3, s14;
	s18 =	sadd.s32 s3, s18;
	[dreg:$0xe] =	wrdreg s26  }
0x19: {  	s20 =	sadd.s32 s3, s10;
	s10 =	smul.u32 $0xA000, s16;
	[dreg:$0xf] =	wrdreg s12  }
0x1a: {  	s23 =	sadd.s32 s3, s4;
	s16 =	smul.u32 $0xA000, s28;
	[dreg:$0x10] =	wrdreg s15  }
0x1b: {  	[dreg:$0x11] =	wrdreg s18;
	s24 =	sadd.s32 s3, s8;
	s26 =	smul.u32 $0xA000, s22  }
0x1c: {  	s25 =	sadd.s32 s3, s21;
	s3 =	sadd.s32 s0, s7;
	s7 =	smul.u32 $0x50000, s22  }
0x1d: {  	[dreg:$0x12] =	wrdreg s20;
	s8 =	sadd.s32 $0x5A00, s9;
	s9 =	smul.u32 $0xA000, s13  }
0x1e: {  	[dreg:$0x13] =	wrdreg s23;
	s13 =	smul.u32 $0xA000, s17  }
0x1f: {  	s18 =	rddreg [dreg:$0x2];
	s15 =	smul.u32 $0xA000, s19  }
0x20: {  	s14 =	smax.u32 s11, $0x1;
	s20 =	rddreg [dreg:$0x3];
	s17 =	smul.u32 $0xA000, s6  }
0x21: {  	s11 =	simm.s32 $0x1;
	s21 =	smul.u32 $0xA000, s30;
	[dreg:$0x14] =	wrdreg s24  }
0x22: {  	s6 =	simm.s32 $0x16800;
	[dreg:$0x15] =	wrdreg s25;
	s19 =	sshrl.u32 s16, $0x2  }
0x23: {  	_ =	strace $0x8000004A;
	[dreg:$0x16] =	wrdreg s8;
	s2 =	sshrl.u32 s26, $0x2  }
0x24: {  	s0 =	sshrl.u32 s7, $0x2;
	s12 =	sshrl.u32 s9, $0x2;
	[dreg:$0x17] =	wrdreg s14  }
0x25: {  	s4 =	sshrl.u32 s13, $0x2;
	s31 =	sadd.s32 s19, s18;
	s22 =	sshrl.u32 s17, $0x2  }
0x26: {  	s25 =	sshrl.u32 s21, $0x2;
	s7 =	simm.s32 $0x2;
	s8 =	simm.s32 $0x19000  }
0x27: {  	s9 =	simm.s32 $0x1B800;
	s13 =	simm.s32 $0x0;
	s23 =	sadd.s32 s2, s20  }
0x28: {  	s24 =	sadd.s32 s0, s18;
	s26 =	sadd.s32 s12, s18;
	s2 =	sshrl.u32 s10, $0x2  }
0x29: {  	s29 =	sadd.s32 s4, s18;
	s0 =	sshrl.u32 s15, $0x2;
	s16 =	sadd.s32 s22, s18  }
0x2a: {  	s4 =	sadd.s32 $0xEE6800, s5;
	s5 =	sadd.s32 $0xF800, s5;
	s10 =	simm.s32 $0x1B880  }
0x2b: {  	s12 =	simm.s32 $0x50;
	s28 =	sadd.s32 s2, s18;
	s30 =	sadd.s32 s0, s18  }
0x2c: {  	s0 =	sadd.s32 $0xEF0600, s3;
	s2 =	sadd.s32 s25, s18;
	s3 =	sadd.s32 $0x13D2600, s3  }
.LBB2_1:
0x2d: {  	s14 =	rddreg [dreg:$0x6]  }
0x2e: {  	[tilespmem:s6], [sflag:$0x2] =	stream.linear.gather [hbm4b:s14+s1], $0x2800, $0x38;
	[tilespmem:$0x1B900] =	vst v63  }
0x2f: {  	_ =	swait.ge [sflag:s7], $0x2800  }
0x30: {  	[sflag:s7] =	ssyncset.done $0x0  }
0x31: {  	[sflag:s7] =	ssyncadd.s32 $0xFFFFD800  }
0x32: {  	[spmem:s24] =	stream.linear.scatter [tilespmem:s6], [sflag:$0x2], $0x2800, $0x38;
	[tilespmem:$0x1B900] =	vst v63  }
0x33: {  	_ =	swait.ge [sflag:s7], $0x2800  }
0x34: {  	[sflag:s7] =	ssyncset.done $0x0  }
0x35: {  	s19 =	rddreg [dreg:$0x7];
	[sflag:s7] =	ssyncadd.s32 $0xFFFFD800  }
0x36: {  	[tilespmem:s6], [sflag:$0x2] =	stream.linear.gather [hbm4b:s19+s1], $0x2800, $0x38;
	[tilespmem:$0x1B900] =	vst v63  }
0x37: {  	_ =	swait.ge [sflag:s7], $0x2800  }
0x38: {  	[sflag:s7] =	ssyncset.done $0x0  }
0x39: {  	[sflag:s7] =	ssyncadd.s32 $0xFFFFD800  }
0x3a: {  	[spmem:s26] =	stream.linear.scatter [tilespmem:s6], [sflag:$0x2], $0x2800, $0x38;
	[tilespmem:$0x1B900] =	vst v63  }
0x3b: {  	_ =	swait.ge [sflag:s7], $0x2800  }
0x3c: {  	[sflag:s7] =	ssyncset.done $0x0  }
0x3d: {  	s21 =	rddreg [dreg:$0x8];
	[sflag:s7] =	ssyncadd.s32 $0xFFFFD800  }
0x3e: {  	[tilespmem:s6], [sflag:$0x2] =	stream.linear.gather [hbm4b:s21+s1], $0x2800, $0x38;
	[tilespmem:$0x1B900] =	vst v63  }
0x3f: {  	_ =	swait.ge [sflag:s7], $0x2800  }
0x40: {  	[sflag:s7] =	ssyncset.done $0x0  }
0x41: {  	[sflag:s7] =	ssyncadd.s32 $0xFFFFD800  }
0x42: {  	[spmem:s28] =	stream.linear.scatter [tilespmem:s6], [sflag:$0x2], $0x2800, $0x38;
	[tilespmem:$0x1B900] =	vst v63  }
0x43: {  	_ =	swait.ge [sflag:s7], $0x2800  }
0x44: {  	[sflag:s7] =	ssyncset.done $0x0  }
0x45: {  	s22 =	rddreg [dreg:$0x9];
	[sflag:s7] =	ssyncadd.s32 $0xFFFFD800  }
0x46: {  	[tilespmem:s6], [sflag:$0x2] =	stream.linear.gather [hbm4b:s22+s1], $0x2800, $0x38;
	[tilespmem:$0x1B900] =	vst v63  }
0x47: {  	_ =	swait.ge [sflag:s7], $0x2800  }
0x48: {  	[sflag:s7] =	ssyncset.done $0x0  }
0x49: {  	[sflag:s7] =	ssyncadd.s32 $0xFFFFD800  }
0x4a: {  	[spmem:s29] =	stream.linear.scatter [tilespmem:s6], [sflag:$0x2], $0x2800, $0x38;
	[tilespmem:$0x1B900] =	vst v63  }
0x4b: {  	_ =	swait.ge [sflag:s7], $0x2800  }
0x4c: {  	[sflag:s7] =	ssyncset.done $0x0  }
0x4d: {  	s25 =	rddreg [dreg:$0xa];
	[sflag:s7] =	ssyncadd.s32 $0xFFFFD800  }
0x4e: {  	[tilespmem:s6], [sflag:$0x2] =	stream.linear.gather [hbm4b:s25+s1], $0x2800, $0x38;
	[tilespmem:$0x1B900] =	vst v63  }
0x4f: {  	_ =	swait.ge [sflag:s7], $0x2800  }
0x50: {  	[sflag:s7] =	ssyncset.done $0x0  }
0x51: {  	[sflag:s7] =	ssyncadd.s32 $0xFFFFD800  }
0x52: {  	[spmem:s30] =	stream.linear.scatter [tilespmem:s6], [sflag:$0x2], $0x2800, $0x38;
	[tilespmem:$0x1B900] =	vst v63  }
0x53: {  	_ =	swait.ge [sflag:s7], $0x2800  }
0x54: {  	[sflag:s7] =	ssyncset.done $0x0  }
0x55: {  	s15 =	rddreg [dreg:$0xb];
	[sflag:s7] =	ssyncadd.s32 $0xFFFFD800  }
0x56: {  	[tilespmem:s6], [sflag:$0x2] =	stream.linear.gather [hbm4b:s15+s1], $0x2800, $0x38;
	[tilespmem:$0x1B900] =	vst v63  }
0x57: {  	_ =	swait.ge [sflag:s7], $0x2800  }
0x58: {  	[sflag:s7] =	ssyncset.done $0x0  }
0x59: {  	[sflag:s7] =	ssyncadd.s32 $0xFFFFD800  }
0x5a: {  	[spmem:s31] =	stream.linear.scatter [tilespmem:s6], [sflag:$0x2], $0x2800, $0x38;
	[tilespmem:$0x1B900] =	vst v63  }
0x5b: {  	_ =	swait.ge [sflag:s7], $0x2800  }
0x5c: {  	[sflag:s7] =	ssyncset.done $0x0  }
0x5d: {  	s17 =	rddreg [dreg:$0xc];
	[sflag:s7] =	ssyncadd.s32 $0xFFFFD800  }
0x5e: {  	[tilespmem:s6], [sflag:$0x2] =	stream.linear.gather [hbm4b:s17+s1], $0x2800, $0x38;
	[tilespmem:$0x1B900] =	vst v63  }
0x5f: {  	_ =	swait.ge [sflag:s7], $0x2800  }
0x60: {  	[sflag:s7] =	ssyncset.done $0x0  }
0x61: {  	[sflag:s7] =	ssyncadd.s32 $0xFFFFD800  }
0x62: {  	[spmem:s16] =	stream.linear.scatter [tilespmem:s6], [sflag:$0x2], $0x2800, $0x38;
	[tilespmem:$0x1B900] =	vst v63  }
0x63: {  	_ =	swait.ge [sflag:s7], $0x2800  }
0x64: {  	[sflag:s7] =	ssyncset.done $0x0  }
0x65: {  	s19 =	rddreg [dreg:$0xd];
	[sflag:s7] =	ssyncadd.s32 $0xFFFFD800  }
0x66: {  	[tilespmem:s6], [sflag:$0x2] =	stream.linear.gather [hbm4b:s19+s1], $0x2800, $0x38;
	[tilespmem:$0x1B900] =	vst v63  }
0x67: {  	_ =	swait.ge [sflag:s7], $0x2800  }
0x68: {  	[sflag:s7] =	ssyncset.done $0x0  }
0x69: {  	[sflag:s7] =	ssyncadd.s32 $0xFFFFD800  }
0x6a: {  	[spmem:s2] =	stream.linear.scatter [tilespmem:s6], [sflag:$0x2], $0x2800, $0x38;
	[tilespmem:$0x1B900] =	vst v63  }
0x6b: {  	_ =	swait.ge [sflag:s7], $0x2800  }
0x6c: {  	[sflag:s7] =	ssyncset.done $0x0  }
0x6d: {  	s21 =	rddreg [dreg:$0x16];
	[sflag:s7] =	ssyncadd.s32 $0xFFFFD800  }
0x6e: {  	[tilespmem:s8], [sflag:$0x2] =	stream.linear.gather [hbm4b:s21+s1], $0x2800, $0x38;
	[tilespmem:$0x1B900] =	vst v63  }
0x6f: {  	_ =	swait.ge [sflag:s7], $0x2800  }
0x70: {  	[sflag:s7] =	ssyncset.done $0x0  }
0x71: {  	[sflag:s7] =	ssyncadd.s32 $0xFFFFD800  }
0x72: {  	[spmem:s23] =	stream.linear.scatter [tilespmem:s8], [sflag:$0x2], $0x2800, $0x38;
	[tilespmem:$0x1B900] =	vst v63  }
0x73: {  	_ =	swait.ge [sflag:s7], $0x2800  }
0x74: {  	[sflag:s7] =	ssyncset.done $0x0  }
0x75: {  	[sflag:s7] =	ssyncadd.s32 $0xFFFFD800  }
0x76: {  	s22 =	sadd.s32 $0x0, s5;
	[bflag:$0x0] =	sbarrier.arrive $0xFFFF  }
0x77: {  	[tilespmem:s9], [sflag:$0x2] =	stream.linear.gather [hbm4b:s22+s1], $0x50, $0x38;
	[tilespmem:$0x1B900] =	vst v63  }
0x78: {  	_ =	swait.ge [sflag:s7], $0x50  }
0x79: {  	[sflag:s7] =	ssyncset.done $0x0  }
0x7a: {  	s25 =	sadd.s32 $0x0, s4;
	[sflag:s7] =	ssyncadd.s32 $0xFFFFFFB0  }
0x7b: {  	[tilespmem:s10], [sflag:$0x2] =	stream.linear.gather [hbm4b:s25+s1], $0x50, $0x38;
	[tilespmem:$0x1B900] =	vst v63  }
0x7c: {  	_ =	swait.ge [sflag:s7], $0x50  }
0x7d: {  	[sflag:s7] =	ssyncset.done $0x0  }
0x7e: {  	[sflag:s7] =	ssyncadd.s32 $0xFFFFFFB0  }
0x7f: {  	[tilespmem:s6], [sflag:$0x1] =	stream.linear.gather [hbm4b:s0+s1], $0x2800, $0x38;
	[tilespmem:$0x1B900] =	vst v63  }
0x80: {  	_ = 	snop  }
0x81: {  	[tilespmem:s8], [sflag:$0x1] =	stream.linear.gather [hbm4b:s3+s1], $0x2800, $0x38;
	[tilespmem:$0x1B900] =	vst v63  }
0x82: {  	_ =	swait.ge [sflag:s11], $0x2800  }
0x83: {  	[sflag:s11] =	ssyncset.done $0x0  }
0x84: {  	[sflag:s11] =	ssyncadd.s32 $0xFFFFD800  }
0x85: {  	_ =	swait.ge [sflag:s11], $0x2800  }
0x86: {  	[sflag:s11] =	ssyncset.done $0x0  }
0x87: {  	[sflag:s11] =	ssyncadd.s32 $0xFFFFD800  }
0x88: {  	[spmem:s18] =	stream.indirect.scatter.add.f32 [tilespmem:s6], [sflag:$0x2], $0x80, s9, s12, $0xb8;
	[tilespmem:$0x1B900] =	vst v63  }
0x89: {  	_ =	swait.ge [sflag:s7], $0x2800  }
0x8a: {  	[sflag:s7] =	ssyncset.done $0x0  }
0x8b: {  	[sflag:s7] =	ssyncadd.s32 $0xFFFFD800  }
0x8c: {  	[spmem:s20] =	stream.indirect.scatter.add.f32 [tilespmem:s8], [sflag:$0x2], $0x80, s10, s12, $0xb8;
	[tilespmem:$0x1B900] =	vst v63  }
0x8d: {  	s14 =	sadd.s32 $0x500, s0;
	s15 =	sadd.s32 $0x500, s3;
	_ =	swait.ge [sflag:s7], $0x2800  }
0x8e: {  	s17 =	simm.s32 $0xA;
	s19 =	simm.s32 $0x14;
	[sflag:s7] =	ssyncset.done $0x0  }
.LBB2_2:
0x8f: {  	s21 =	sadd.s32 s17, s5  }
0x90: {  	[sflag:s7] =	ssyncadd.s32 $0xFFFFD800;
	s22 =	smov.u32 s19;
	s25 =	sadd.s32 $0xA, s19  }
0x91: {  	[tilespmem:s9], [sflag:$0x2] =	stream.linear.gather [hbm4b:s21+s1], $0x50, $0x38;
	[tilespmem:$0x1B900] =	vst v63  }
0x92: {  	p0 =	sne.s32 s19, $0x4D8;
	_ =	swait.ge [sflag:s7], $0x50  }
0x93: {  	[sflag:s7] =	ssyncset.done $0x0  }
0x94: {  	s19 =	sadd.s32 s17, s4;
	s17 =	smov.u32 s22;
	[sflag:s7] =	ssyncadd.s32 $0xFFFFFFB0  }
0x95: {  	[tilespmem:s10], [sflag:$0x2] =	stream.linear.gather [hbm4b:s19+s1], $0x50, $0x38;
	[tilespmem:$0x1B900] =	vst v63  }
0x96: {  	_ =	swait.ge [sflag:s7], $0x50  }
0x97: {  	[sflag:s7] =	ssyncset.done $0x0  }
0x98: {  	[sflag:s7] =	ssyncadd.s32 $0xFFFFFFB0  }
0x99: {  	[tilespmem:s6], [sflag:$0x1] =	stream.linear.gather [hbm4b:s14+s1], $0x2800, $0x38;
	[tilespmem:$0x1B900] =	vst v63  }
0x9a: {  	_ = 	snop  }
0x9b: {  	[tilespmem:s8], [sflag:$0x1] =	stream.linear.gather [hbm4b:s15+s1], $0x2800, $0x38;
	[tilespmem:$0x1B900] =	vst v63  }
0x9c: {  	_ =	swait.ge [sflag:s11], $0x2800  }
0x9d: {  	[sflag:s11] =	ssyncset.done $0x0  }
0x9e: {  	[sflag:s11] =	ssyncadd.s32 $0xFFFFD800  }
0x9f: {  	_ =	swait.ge [sflag:s11], $0x2800  }
0xa0: {  	[sflag:s11] =	ssyncset.done $0x0  }
0xa1: {  	[sflag:s11] =	ssyncadd.s32 $0xFFFFD800  }
0xa2: {  	[spmem:s18] =	stream.indirect.scatter.add.f32 [tilespmem:s6], [sflag:$0x2], $0x80, s9, s12, $0xb8;
	[tilespmem:$0x1B900] =	vst v63  }
0xa3: {  	_ =	swait.ge [sflag:s7], $0x2800  }
.Ltmp0:
0xa4: {  	[sflag:s7] =	ssyncset.done $0x0;
	(pc) =	sbr.rel @p0 .LBB2_2-.Ltmp0, $4  }
0xa5: {  	[sflag:s7] =	ssyncadd.s32 $0xFFFFD800  }
0xa6: {  	[spmem:s20] =	stream.indirect.scatter.add.f32 [tilespmem:s8], [sflag:$0x2], $0x80, s10, s12, $0xb8;
	[tilespmem:$0x1B900] =	vst v63  }
0xa7: {  	s19 =	smov.u32 s25;
	_ =	swait.ge [sflag:s7], $0x2800  }
0xa8: {  	s14 =	sadd.s32 $0x500, s14;
	s15 =	sadd.s32 $0x500, s15;
	[sflag:s7] =	ssyncset.done $0x0  }
0xa9: {  	s19 =	sadd.s32 s17, s5;
	[sflag:s7] =	ssyncadd.s32 $0xFFFFD800  }
0xaa: {  	[tilespmem:s9], [sflag:$0x2] =	stream.linear.gather [hbm4b:s19+s1], $0x50, $0x38;
	[tilespmem:$0x1B900] =	vst v63  }
0xab: {  	_ =	swait.ge [sflag:s7], $0x50  }
0xac: {  	[sflag:s7] =	ssyncset.done $0x0  }
0xad: {  	s25 =	sadd.s32 s17, s4;
	[sflag:s7] =	ssyncadd.s32 $0xFFFFFFB0  }
0xae: {  	[tilespmem:s10], [sflag:$0x2] =	stream.linear.gather [hbm4b:s25+s1], $0x50, $0x38;
	[tilespmem:$0x1B900] =	vst v63  }
0xaf: {  	_ =	swait.ge [sflag:s7], $0x50  }
0xb0: {  	[sflag:s7] =	ssyncset.done $0x0  }
0xb1: {  	[sflag:s7] =	ssyncadd.s32 $0xFFFFFFB0  }
0xb2: {  	[tilespmem:s6], [sflag:$0x1] =	stream.linear.gather [hbm4b:s14+s1], $0x2800, $0x38;
	[tilespmem:$0x1B900] =	vst v63  }
0xb3: {  	_ = 	snop  }
0xb4: {  	[tilespmem:s8], [sflag:$0x1] =	stream.linear.gather [hbm4b:s15+s1], $0x2800, $0x38;
	[tilespmem:$0x1B900] =	vst v63  }
0xb5: {  	_ =	swait.ge [sflag:s11], $0x2800  }
0xb6: {  	[sflag:s11] =	ssyncset.done $0x0  }
0xb7: {  	[sflag:s11] =	ssyncadd.s32 $0xFFFFD800  }
0xb8: {  	_ =	swait.ge [sflag:s11], $0x2800  }
0xb9: {  	[sflag:s11] =	ssyncset.done $0x0  }
0xba: {  	[sflag:s11] =	ssyncadd.s32 $0xFFFFD800  }
0xbb: {  	[spmem:s18] =	stream.indirect.scatter.add.f32 [tilespmem:s6], [sflag:$0x2], $0x80, s9, s12, $0xb8;
	[tilespmem:$0x1B900] =	vst v63  }
0xbc: {  	_ =	swait.ge [sflag:s7], $0x2800  }
0xbd: {  	[sflag:s7] =	ssyncset.done $0x0  }
0xbe: {  	[sflag:s7] =	ssyncadd.s32 $0xFFFFD800  }
0xbf: {  	[spmem:s20] =	stream.indirect.scatter.add.f32 [tilespmem:s8], [sflag:$0x2], $0x80, s10, s12, $0xb8;
	[tilespmem:$0x1B900] =	vst v63  }
0xc0: {  	_ =	swait.ge [sflag:s7], $0x2800  }
0xc1: {  	[sflag:s7] =	ssyncset.done $0x0  }
0xc2: {  	[sflag:s7] =	ssyncadd.s32 $0xFFFFD800  }
0xc3: {  	[bflag:$0x0] =	sbarrier.arrive $0xFFFF  }
0xc4: {  	[tilespmem:s6], [sflag:$0x2] =	stream.linear.gather [spmem:s24], $0x2800, $0x38;
	[tilespmem:$0x1B900] =	vst v63  }
0xc5: {  	_ =	swait.ge [sflag:s7], $0x2800  }
0xc6: {  	[sflag:s7] =	ssyncset.done $0x0  }
0xc7: {  	s19 =	rddreg [dreg:$0xe];
	[sflag:s7] =	ssyncadd.s32 $0xFFFFD800  }
0xc8: {  	[hbm4b:s19+s1] =	stream.linear.scatter [tilespmem:s6], [sflag:$0x2], $0x2800, $0x38;
	[tilespmem:$0x1B900] =	vst v63  }
0xc9: {  	_ =	swait.ge [sflag:s7], $0x2800  }
0xca: {  	[sflag:s7] =	ssyncset.done $0x0  }
0xcb: {  	[sflag:s7] =	ssyncadd.s32 $0xFFFFD800  }
0xcc: {  	[tilespmem:s6], [sflag:$0x2] =	stream.linear.gather [spmem:s26], $0x2800, $0x38;
	[tilespmem:$0x1B900] =	vst v63  }
0xcd: {  	_ =	swait.ge [sflag:s7], $0x2800  }
0xce: {  	[sflag:s7] =	ssyncset.done $0x0  }
0xcf: {  	s21 =	rddreg [dreg:$0xf];
	[sflag:s7] =	ssyncadd.s32 $0xFFFFD800  }
0xd0: {  	[hbm4b:s21+s1] =	stream.linear.scatter [tilespmem:s6], [sflag:$0x2], $0x2800, $0x38;
	[tilespmem:$0x1B900] =	vst v63  }
0xd1: {  	_ =	swait.ge [sflag:s7], $0x2800  }
0xd2: {  	[sflag:s7] =	ssyncset.done $0x0  }
0xd3: {  	[sflag:s7] =	ssyncadd.s32 $0xFFFFD800  }
0xd4: {  	[tilespmem:s6], [sflag:$0x2] =	stream.linear.gather [spmem:s28], $0x2800, $0x38;
	[tilespmem:$0x1B900] =	vst v63  }
0xd5: {  	_ =	swait.ge [sflag:s7], $0x2800  }
0xd6: {  	[sflag:s7] =	ssyncset.done $0x0  }
0xd7: {  	s22 =	rddreg [dreg:$0x10];
	[sflag:s7] =	ssyncadd.s32 $0xFFFFD800  }
0xd8: {  	[hbm4b:s22+s1] =	stream.linear.scatter [tilespmem:s6], [sflag:$0x2], $0x2800, $0x38;
	[tilespmem:$0x1B900] =	vst v63  }
0xd9: {  	_ =	swait.ge [sflag:s7], $0x2800  }
0xda: {  	[sflag:s7] =	ssyncset.done $0x0  }
0xdb: {  	[sflag:s7] =	ssyncadd.s32 $0xFFFFD800  }
0xdc: {  	[tilespmem:s6], [sflag:$0x2] =	stream.linear.gather [spmem:s29], $0x2800, $0x38;
	[tilespmem:$0x1B900] =	vst v63  }
0xdd: {  	_ =	swait.ge [sflag:s7], $0x2800  }
0xde: {  	[sflag:s7] =	ssyncset.done $0x0  }
0xdf: {  	s25 =	rddreg [dreg:$0x11];
	[sflag:s7] =	ssyncadd.s32 $0xFFFFD800  }
0xe0: {  	[hbm4b:s25+s1] =	stream.linear.scatter [tilespmem:s6], [sflag:$0x2], $0x2800, $0x38;
	[tilespmem:$0x1B900] =	vst v63  }
0xe1: {  	_ =	swait.ge [sflag:s7], $0x2800  }
0xe2: {  	[sflag:s7] =	ssyncset.done $0x0  }
0xe3: {  	[sflag:s7] =	ssyncadd.s32 $0xFFFFD800  }
0xe4: {  	[tilespmem:s6], [sflag:$0x2] =	stream.linear.gather [spmem:s30], $0x2800, $0x38;
	[tilespmem:$0x1B900] =	vst v63  }
0xe5: {  	_ =	swait.ge [sflag:s7], $0x2800  }
0xe6: {  	[sflag:s7] =	ssyncset.done $0x0  }
0xe7: {  	s15 =	rddreg [dreg:$0x12];
	[sflag:s7] =	ssyncadd.s32 $0xFFFFD800  }
0xe8: {  	[hbm4b:s15+s1] =	stream.linear.scatter [tilespmem:s6], [sflag:$0x2], $0x2800, $0x38;
	[tilespmem:$0x1B900] =	vst v63  }
0xe9: {  	_ =	swait.ge [sflag:s7], $0x2800  }
0xea: {  	[sflag:s7] =	ssyncset.done $0x0  }
0xeb: {  	[sflag:s7] =	ssyncadd.s32 $0xFFFFD800  }
0xec: {  	[tilespmem:s6], [sflag:$0x2] =	stream.linear.gather [spmem:s31], $0x2800, $0x38;
	[tilespmem:$0x1B900] =	vst v63  }
0xed: {  	_ =	swait.ge [sflag:s7], $0x2800  }
0xee: {  	[sflag:s7] =	ssyncset.done $0x0  }
0xef: {  	s17 =	rddreg [dreg:$0x13];
	[sflag:s7] =	ssyncadd.s32 $0xFFFFD800  }
0xf0: {  	[hbm4b:s17+s1] =	stream.linear.scatter [tilespmem:s6], [sflag:$0x2], $0x2800, $0x38;
	[tilespmem:$0x1B900] =	vst v63  }
0xf1: {  	_ =	swait.ge [sflag:s7], $0x2800  }
0xf2: {  	[sflag:s7] =	ssyncset.done $0x0  }
0xf3: {  	[sflag:s7] =	ssyncadd.s32 $0xFFFFD800  }
0xf4: {  	[tilespmem:s6], [sflag:$0x2] =	stream.linear.gather [spmem:s16], $0x2800, $0x38;
	[tilespmem:$0x1B900] =	vst v63  }
0xf5: {  	_ =	swait.ge [sflag:s7], $0x2800  }
0xf6: {  	[sflag:s7] =	ssyncset.done $0x0  }
0xf7: {  	s19 =	rddreg [dreg:$0x14];
	[sflag:s7] =	ssyncadd.s32 $0xFFFFD800  }
0xf8: {  	[hbm4b:s19+s1] =	stream.linear.scatter [tilespmem:s6], [sflag:$0x2], $0x2800, $0x38;
	[tilespmem:$0x1B900] =	vst v63  }
0xf9: {  	_ =	swait.ge [sflag:s7], $0x2800  }
0xfa: {  	[sflag:s7] =	ssyncset.done $0x0  }
0xfb: {  	[sflag:s7] =	ssyncadd.s32 $0xFFFFD800  }
0xfc: {  	[tilespmem:s6], [sflag:$0x2] =	stream.linear.gather [spmem:s2], $0x2800, $0x38;
	[tilespmem:$0x1B900] =	vst v63  }
0xfd: {  	_ =	swait.ge [sflag:s7], $0x2800  }
0xfe: {  	[sflag:s7] =	ssyncset.done $0x0  }
0xff: {  	s21 =	rddreg [dreg:$0x15];
	[sflag:s7] =	ssyncadd.s32 $0xFFFFD800  }
0x100: {  	[hbm4b:s21+s1] =	stream.linear.scatter [tilespmem:s6], [sflag:$0x2], $0x2800, $0x38;
	[tilespmem:$0x1B900] =	vst v63  }
0x101: {  	_ =	swait.ge [sflag:s7], $0x2800  }
0x102: {  	[sflag:s7] =	ssyncset.done $0x0  }
0x103: {  	[sflag:s7] =	ssyncadd.s32 $0xFFFFD800  }
0x104: {  	[tilespmem:s8], [sflag:$0x2] =	stream.linear.gather [spmem:s23], $0x2800, $0x38;
	[tilespmem:$0x1B900] =	vst v63  }
0x105: {  	_ =	swait.ge [sflag:s7], $0x2800  }
0x106: {  	[sflag:s7] =	ssyncset.done $0x0  }
0x107: {  	s22 =	rddreg [dreg:$0x5];
	[sflag:s7] =	ssyncadd.s32 $0xFFFFD800  }
0x108: {  	[hbm4b:s22+s1] =	stream.linear.scatter [tilespmem:s8], [sflag:$0x2], $0x2800, $0x38;
	[tilespmem:$0x1B900] =	vst v63  }
0x109: {  	_ =	swait.ge [sflag:s7], $0x2800  }
0x10a: {  	s13 =	sadd.s32 $0x1, s13;
	s25 =	rddreg [dreg:$0x17]  }
0x10b: {  	p0 =	sne.s32 s13, s25  }
.Ltmp1:
0x10c: {  	_ = 	snop;
	(pc) =	sbr.rel @p0 .LBB2_1-.Ltmp1, $3  }
0x10d: {  	_ =	sdelay $0x1  }
0x10e: {  	[sflag:s7] =	ssyncset.done $0x0  }
0x10f: {  	[sflag:s7] =	ssyncadd.s32 $0xFFFFD800  }
0x110: {  	_ =	sfence.sel $0x180000  }
0x111: {  	[bflag:$0x0] =	sbarrier.arrive $0xFFFF  }
0x112: {  	_ =	strace $0x9000004A  }
0x113: {  	s0 =	stileid.u32;
	[bflag:$0x2] =	sbarrier.arrive $0xFFFF  }
0x114: {  	p0 =	sne.s32 s0, $0x0;
	s0 =	rddreg [dreg:$0x4]  }
0x115: {  	s0 =	sadd.s32 @!p0 $0x100000, s0  }
0x116: {  	[sflag:s0] =	ssyncadd.tile.s32 @!p0 $0x1;
	_ =	shalt  }
.Lfunc_end2:
_tile_overlayer_lowered:
.L_overlay_start_2:
0x117: {  	(tag) =	ssettag $0x2  }
0x118: {  	s0 =	rddreg [dreg:$0x0];
	s2 =	stileid.u32  }
0x119: {  	s1 =	rddreg [dreg:$0x1];
	p0 =	sne.s32 s2, $0x0  }
0x11a: {  	s3 =	rddreg [dreg:$0x2];
	[bflag:$0x3] =	sbarrier.arrive $0xFFFF;
	s2 =	simm.s32 @!p0 $0x1C02  }
0x11b: {  	[timem:s3], [sflag:s2] =	dma.local @!p0 [hbm:s0], s1  }
0x11c: {  	s0 =	simm.s32 @!p0 $0x2  }
0x11d: {  	_ =	swait.ge @!p0 [sflag:s0], s1  }
0x11e: {  	s1 =	ssub.s32 @!p0 $0x0, s1;
	[sflag:s0] =	ssyncset.done @!p0 $0x0  }
0x11f: {  	[sflag:s0] =	ssyncadd.s32 @!p0 s1  }
0x120: {  	[bflag:$0x3] =	sbarrier.arrive $0xFFFF  }
0x121: {  	_ =	shalt  }

</sc_bundles>
